<compile_context>
chip_gen: v7x
topology: tpu7x:2x2x1
jax: 0.10.2.dev20260603
libtpu: 0.0.44.dev20260713+nightly
codegen_flags: <defaults>
</compile_context>

<pallas_src>
import jax
import jax.numpy as jnp
from jax.experimental import pallas as pl
from jax.experimental.pallas import tpu as pltpu
from jax.experimental.pallas import tpu_sc as plsc

_BM = 512
_BM2 = 2048
_GW = 128
_CK = 576


def _insert3(carry, bv, bi):
    a0, a1, a2, i0, i1, i2 = carry
    t = bv < a2
    v2 = jnp.where(t, bv, a2)
    j2 = jnp.where(t, bi, i2)
    s = v2 < a1
    nv1 = jnp.where(s, v2, a1)
    nj1 = jnp.where(s, j2, i1)
    nv2 = jnp.where(s, a1, v2)
    nj2 = jnp.where(s, i1, j2)
    s0 = nv1 < a0
    fv0 = jnp.where(s0, nv1, a0)
    fj0 = jnp.where(s0, nj1, i0)
    fv1 = jnp.where(s0, a0, nv1)
    fj1 = jnp.where(s0, i0, nj1)
    return fv0, fv1, nv2, fj0, fj1, nj2


def _knn_body(psT_ref, bsk_ref, pos_ref, b_ref, b_row_ref, idx_ref, nw_ref):
    n = pos_ref.shape[0]
    blo = bsk_ref[0, 0]
    bhi = bsk_ref[0, _BM - 1]
    b_row = b_row_ref[...]
    lo = jnp.sum((b_row < blo).astype(jnp.int32))
    hi = jnp.sum((b_row <= bhi).astype(jnp.int32))
    qx = psT_ref[0:1, :]
    qy = psT_ref[1:2, :]
    qz = psT_ref[2:3, :]
    bq = bsk_ref[...]
    iota = jax.lax.broadcasted_iota(jnp.int32, (_CK, _BM), 0).astype(jnp.float32)
    iota_col = jax.lax.broadcasted_iota(jnp.int32, (_CK, 1), 0)
    big = jnp.float32(1e10)
    lo8 = (lo // 8) * 8

    def chunk_step(t, carry):
        ubase = lo8 + t * _CK
        base = jnp.minimum(ubase, n - _CK)
        cx = pos_ref[pl.ds(base, _CK), 0:1]
        cy = pos_ref[pl.ds(base, _CK), 1:2]
        cz = pos_ref[pl.ds(base, _CK), 2:3]
        bc = b_ref[pl.ds(base, _CK), 0:1]
        bc = jnp.where(iota_col < (ubase - base), jnp.int32(-1), bc)
        dx = cx - qx
        dy = cy - qy
        dz = cz - qz
        d = dx * dx + dy * dy + dz * dz
        d = jnp.where(bc != bq, big, d)
        basef = base.astype(jnp.float32)
        for k in range(3):
            m = jnp.min(d, axis=0, keepdims=True)
            eq = d == m
            candf = jnp.where(eq, iota, jnp.float32(_CK))
            ikf = jnp.min(candf, axis=0, keepdims=True)
            if k < 2:
                d = jnp.where(eq, jnp.float32(3.4e38), d)
            carry = _insert3(carry, m, ikf + basef)
        return carry

    ones = jnp.ones((1, _BM), jnp.float32)
    init = (big * ones, big * ones, big * ones,
            0.0 * ones, 1.0 * ones, 2.0 * ones)
    trips = (hi - lo8 + _CK - 1) // _CK
    a0, a1, a2, i0, i1, i2 = jax.lax.fori_loop(0, trips, chunk_step, init)
    ws = [1.0 / jnp.maximum(v, jnp.float32(1e-16)) for v in (a0, a1, a2)]
    den = ws[0] + ws[1] + ws[2]
    idx_ref[...] = jnp.concatenate([i0, i1, i2], axis=0).astype(jnp.int32)
    nw_ref[...] = jnp.concatenate([w / den for w in ws], axis=0)


def _knn_topk(pos_skipT, bsk_row, pos, b_col, b_row):
    m = pos_skipT.shape[1]
    n = pos.shape[0]
    grid = (m // _BM,)
    return pl.pallas_call(
        _knn_body,
        grid=grid,
        in_specs=[
            pl.BlockSpec((3, _BM), lambda i: (0, i)),
            pl.BlockSpec((1, _BM), lambda i: (0, i)),
            pl.BlockSpec((n, 3), lambda i: (0, 0)),
            pl.BlockSpec((n, 1), lambda i: (0, 0)),
            pl.BlockSpec((1, n), lambda i: (0, 0)),
        ],
        out_specs=[
            pl.BlockSpec((3, _BM), lambda i: (0, i)),
            pl.BlockSpec((3, _BM), lambda i: (0, i)),
        ],
        out_shape=[
            jax.ShapeDtypeStruct((3, m), jnp.int32),
            jax.ShapeDtypeStruct((3, m), jnp.float32),
        ],
    )(pos_skipT, bsk_row, pos, b_col, b_row)


def _sc_gather(x, idx):
    r, m = idx.shape
    num_idx = r * m
    d = x.shape[1]
    npr = m // _GW
    mesh = plsc.VectorSubcoreMesh(core_axis_name="c", subcore_axis_name="s")

    @pl.kernel(
        out_type=jax.ShapeDtypeStruct((num_idx, d), x.dtype),
        mesh=mesh,
    )
    def kern(x_hbm, i_hbm, o_hbm):
        def body(i_vmem, o_vmem):
            pltpu.sync_copy(x_hbm.at[i_vmem.at[0]], o_vmem)

        pltpu.emit_pipeline(
            body,
            grid=(num_idx // _GW,),
            in_specs=[pl.BlockSpec((1, _GW),
                                   index_map=lambda i: (i // npr, i % npr))],
            out_specs=[pl.BlockSpec((_GW, d), index_map=lambda i: (i, 0))],
            core_axis_name=("c", "s"),
            dimension_semantics=(pltpu.PARALLEL,),
        )(i_hbm, o_hbm)

    return kern(x, idx)


def _mlp_body(g0_ref, g1_ref, g2_ref, nw_ref, xs_ref, w1a_ref, w1b_ref,
              b1_ref, w2_ref, b2_ref, out_ref):
    w0 = nw_ref[:, 0:1]
    w1 = nw_ref[:, 1:2]
    w2c = nw_ref[:, 2:3]
    f32 = jnp.float32
    h = (g0_ref[...].astype(f32) * w0 + g1_ref[...].astype(f32) * w1
         + g2_ref[...].astype(f32) * w2c)
    f = jnp.float32
    z = (jnp.dot(h.astype(jnp.bfloat16), w1a_ref[...], preferred_element_type=f)
         + jnp.dot(xs_ref[...].astype(jnp.bfloat16), w1b_ref[...],
                   preferred_element_type=f)
         + b1_ref[...])
    z = jnp.maximum(z, 0.0)
    out_ref[...] = jnp.dot(z.astype(jnp.bfloat16), w2_ref[...],
                           preferred_element_type=f) + b2_ref[...]


def _mlp(gathered, nw, x_skip, w1a, w1b, b1r, w2, b2r):
    m = nw.shape[0]
    d_in = gathered.shape[1]
    d_skip = x_skip.shape[1]
    d_hid = w2.shape[0]
    d_out = w2.shape[1]
    nblk = m // _BM2
    return pl.pallas_call(
        _mlp_body,
        grid=(nblk,),
        in_specs=[
            pl.BlockSpec((_BM2, d_in), lambda i: (i, 0)),
            pl.BlockSpec((_BM2, d_in), lambda i: (i + nblk, 0)),
            pl.BlockSpec((_BM2, d_in), lambda i: (i + 2 * nblk, 0)),
            pl.BlockSpec((_BM2, 3), lambda i: (i, 0)),
            pl.BlockSpec((_BM2, d_skip), lambda i: (i, 0)),
            pl.BlockSpec((d_in, d_hid), lambda i: (0, 0)),
            pl.BlockSpec((d_skip, d_hid), lambda i: (0, 0)),
            pl.BlockSpec((1, d_hid), lambda i: (0, 0)),
            pl.BlockSpec((d_hid, d_out), lambda i: (0, 0)),
            pl.BlockSpec((1, d_out), lambda i: (0, 0)),
        ],
        out_specs=pl.BlockSpec((_BM2, d_out), lambda i: (i, 0)),
        out_shape=jax.ShapeDtypeStruct((m, d_out), jnp.float32),
    )(gathered, gathered, gathered, nw, x_skip,
      w1a.astype(jnp.bfloat16), w1b.astype(jnp.bfloat16), b1r,
      w2.astype(jnp.bfloat16), b2r)


def kernel(x, pos, batch, x_skip, pos_skip, batch_skip, W1, b1, W2, b2):
    n = x.shape[0]
    m = x_skip.shape[0]
    d_in = x.shape[1]

    b32 = batch.astype(jnp.int32)
    bs32 = batch_skip.astype(jnp.int32)
    b_col = b32.reshape(n, 1)
    b_row = b32.reshape(1, n)
    bsk_row = bs32.reshape(1, m)
    pos_skipT = pos_skip.T

    idx, nw = _knn_topk(pos_skipT, bsk_row, pos, b_col, b_row)

    gathered = _sc_gather(x, idx)

    w1a = W1[:d_in]
    w1b = W1[d_in:]
    return _mlp(gathered, nw.T, x_skip, w1a, w1b, b1.reshape(1, -1), W2,
                b2.reshape(1, -1))

# --- scband reference (transcript-rebuilt; emitter-appended) ---
"""Pipeline reference for scband-fpmodule-16870631538822 (READ-ONLY COPY).

The authoritative reference and input builder live on the scoring server;
editing this copy changes nothing except your own understanding.
"""

import jax, jax.numpy as jnp
import numpy as np

N, M, B = 4096, 16384, 8
D_IN, D_SKIP, D_HID, D_OUT = 256, 128, 512, 512


def setup_inputs(seed: int = 0) -> dict:
    key = jax.random.key(seed)
    ks = jax.random.split(key, 10)
    x = jax.random.normal(ks[0], (N, D_IN), dtype=jnp.float32)
    pos = jax.random.uniform(ks[1], (N, 3), dtype=jnp.float32)
    batch = jnp.sort(jax.random.randint(ks[2], (N,), 0, B, dtype=jnp.int64))
    x_skip = jax.random.normal(ks[3], (M, D_SKIP), dtype=jnp.float32)
    pos_skip = jax.random.uniform(ks[4], (M, 3), dtype=jnp.float32)
    batch_skip = jnp.sort(jax.random.randint(ks[5], (M,), 0, B, dtype=jnp.int64))
    W1 = jax.random.normal(ks[6], (D_IN + D_SKIP, D_HID), dtype=jnp.float32) * (1.0 / np.sqrt(D_IN + D_SKIP))
    b1 = jnp.zeros((D_HID,), dtype=jnp.float32)
    W2 = jax.random.normal(ks[7], (D_HID, D_OUT), dtype=jnp.float32) * (1.0 / np.sqrt(D_HID))
    b2 = jnp.zeros((D_OUT,), dtype=jnp.float32)
    return {"x": x, "pos": pos, "batch": batch, "x_skip": x_skip, "pos_skip": pos_skip, "batch_skip": batch_skip, "W1": W1, "b1": b1, "W2": W2, "b2": b2}


def _knn_interpolate(x, pos_x, pos_y, batch_x, batch_y, k=3):
    # pairwise squared distances [M, N], masked across batch boundaries
    diff = pos_y[:, None, :] - pos_x[None, :, :]
    sqd = jnp.sum(diff * diff, axis=-1)
    mask = batch_y[:, None] != batch_x[None, :]
    sqd = jnp.where(mask, jnp.float32(1e10), sqd)
    neg_d, idx = jax.lax.top_k(-sqd, k)
    # torch_geometric computes weights under no_grad
    sq = jax.lax.stop_gradient(-neg_d)
    idx = jax.lax.stop_gradient(idx)
    w = 1.0 / jnp.clip(sq, 1e-16, None)  # [M, k]
    gathered = jnp.take(x, idx, axis=0)  # [M, k, d]
    num = jnp.sum(gathered * w[..., None], axis=1)
    den = jnp.sum(w, axis=1, keepdims=True)
    return num / den


def reference(x, pos, batch, x_skip, pos_skip, batch_skip, W1, b1, W2, b2):
    h = _knn_interpolate(x, pos, pos_skip, batch, batch_skip, k=3)
    h = jnp.concatenate([h, x_skip], axis=1)
    h = jnp.maximum(h @ W1 + b1, 0.0)
    out = h @ W2 + b2
    return out

if __name__ == "__main__":
    import jax
    _d = setup_inputs()
    print(jax.jit(kernel)(*tuple(_d.values())))

</pallas_src>

<mosaic_0001>
#map = affine_map<(d0, d1) -> (0, 0)>
module attributes {stable_mosaic.version = 14 : i64} {
  func.func @kern(%arg0: i32, %arg1: i32, %arg2: memref<4096x256xf32, #tpu.memory_space<hbm>>, %arg3: memref<3x16384xi32, #tpu.memory_space<hbm>>, %arg4: memref<49152x256xf32, #tpu.memory_space<hbm>>) attributes {dimension_semantics = [#tpu.dimension_semantics<core_parallel>, #tpu.dimension_semantics<subcore_parallel>], iteration_bounds = array<i64: 2, 16>, scalar_prefetch = 0 : i64, scratch_operands = 0 : i64, tpu.core_type = #tpu.core_type<sc_vector_subcore>, window_params = [{transform_indices = #map}, {transform_indices = #map}, {transform_indices = #map}]} {
    %mul3A = arith.constant 1 : i32
    %mul3A_0 = arith.muli %arg1, %mul3A : i32
    %add3A = arith.constant 0 : i32
    %add3A_1 = arith.addi %add3A, %mul3A_0 : i32
    %mul3A_2 = arith.constant 16 : i32
    %mul3A_3 = arith.muli %arg0, %mul3A_2 : i32
    %add3A_4 = arith.addi %add3A_1, %mul3A_3 : i32
    %mul3A_5 = arith.constant 12 : i32
    %mul3A_6 = arith.muli %add3A_4, %mul3A_5 : i32
    "tpu.region"() ({
      %run_scoped3A = memref.alloca() : memref<2x1x128xi32, #tpu.memory_space<vmem>>
      %run_scoped3A_7 = tpu.sem_alloc : memref<2x!tpu.dma_semaphore, #tpu.memory_space<semaphore_mem>>
      %run_scoped3A_8 = memref.alloca() : memref<2x128x256xf32, #tpu.memory_space<vmem>>
      %run_scoped3A_9 = tpu.sem_alloc : memref<2x!tpu.dma_semaphore, #tpu.memory_space<semaphore_mem>>
      %add3A_10 = arith.constant 0 : i32
      %add3A_11 = arith.addi %add3A_10, %mul3A_6 : i32
      %select_n3A = arith.constant true
      %select_n3A_12 = arith.constant 0 : i32
      %select_n3A_13 = arith.constant -1 : i32
      %select_n3A_14 = arith.select %select_n3A, %select_n3A_13, %select_n3A_12 : i32
      %eq3A = arith.constant -1 : i32
      %eq3A_15 = arith.cmpi eq, %select_n3A_14, %eq3A : i32
      %select_n3A_16 = arith.constant 11 : i32
      %select_n3A_17 = arith.select %eq3A_15, %select_n3A_16, %select_n3A_14 : i32
      %add3A_18 = arith.addi %select_n3A_17, %mul3A_6 : i32
      %select_n3A_19 = arith.constant true
      %select_n3A_20 = arith.constant 0 : i32
      %select_n3A_21 = arith.constant 1 : i32
      %select_n3A_22 = arith.select %select_n3A_19, %select_n3A_21, %select_n3A_20 : i32
      %eq3A_23 = arith.constant 12 : i32
      %eq3A_24 = arith.cmpi eq, %select_n3A_22, %eq3A_23 : i32
      %select_n3A_25 = arith.constant 0 : i32
      %select_n3A_26 = arith.select %eq3A_24, %select_n3A_25, %select_n3A_22 : i32
      %add3A_27 = arith.addi %select_n3A_26, %mul3A_6 : i32
      %add3A_28 = arith.constant 1 : i32
      %add3A_29 = arith.addi %select_n3A_26, %add3A_28 : i32
      %select_n3A_30 = arith.constant true
      %select_n3A_31 = arith.select %select_n3A_30, %add3A_29, %select_n3A_26 : i32
      %eq3A_32 = arith.constant 12 : i32
      %eq3A_33 = arith.cmpi eq, %select_n3A_31, %eq3A_32 : i32
      %select_n3A_34 = arith.constant 0 : i32
      %select_n3A_35 = arith.select %eq3A_33, %select_n3A_34, %select_n3A_31 : i32
      %add3A_36 = arith.addi %select_n3A_35, %mul3A_6 : i32
      "tpu.trace_start"() <{level = 10 : i32, message = "ep_initialize_0"}> : () -> ()
      %rem3A = arith.constant 0 : i32
      %rem3A_37 = arith.constant 2 : i32
      %rem3A_38 = arith.remui %rem3A, %rem3A_37 : i32
      %jit3A = arith.constant 128 : i32
      %div3A = arith.divsi %add3A_11, %jit3A : i32
      %sign3A = arith.constant 0 : i32
      %sign3A_39 = arith.cmpi sgt, %add3A_11, %sign3A : i32
      %sign3A_40 = arith.extui %sign3A_39 : i1 to i32
      %sign3A_41 = arith.constant 0 : i32
      %sign3A_42 = arith.cmpi slt, %add3A_11, %sign3A_41 : i32
      %sign3A_43 = arith.extui %sign3A_42 : i1 to i32
      %sign3A_44 = arith.subi %sign3A_40, %sign3A_43 : i32
      %sign3A_45 = arith.constant 0 : i32
      %sign3A_46 = arith.cmpi sgt, %jit3A, %sign3A_45 : i32
      %sign3A_47 = arith.extui %sign3A_46 : i1 to i32
      %sign3A_48 = arith.constant 0 : i32
      %sign3A_49 = arith.cmpi slt, %jit3A, %sign3A_48 : i32
      %sign3A_50 = arith.extui %sign3A_49 : i1 to i32
      %sign3A_51 = arith.subi %sign3A_47, %sign3A_50 : i32
      %ne3A = arith.cmpi ne, %sign3A_44, %sign3A_51 : i32
      %rem3A_52 = arith.remsi %add3A_11, %jit3A : i32
      %ne3A_53 = arith.constant 0 : i32
      %ne3A_54 = arith.cmpi ne, %rem3A_52, %ne3A_53 : i32
      %and3A = arith.andi %ne3A, %ne3A_54 : i1
      %sub3A = arith.constant 1 : i32
      %sub3A_55 = arith.subi %div3A, %sub3A : i32
      %select_n3A_56 = arith.select %and3A, %sub3A_55, %div3A : i32
      %jit3A_57 = arith.constant 128 : i32
      %eq3A_58 = arith.constant 0 : i32
      %eq3A_59 = arith.cmpi eq, %jit3A_57, %eq3A_58 : i32
      %jit3A_60 = arith.constant 1 : i32
      %select_n3A_61 = arith.select %eq3A_59, %jit3A_60, %jit3A_57 : i32
      %rem3A_62 = arith.remsi %add3A_11, %select_n3A_61 : i32
      %ne3A_63 = arith.constant 0 : i32
      %ne3A_64 = arith.cmpi ne, %rem3A_62, %ne3A_63 : i32
      %lt3A = arith.constant 0 : i32
      %lt3A_65 = arith.cmpi slt, %rem3A_62, %lt3A : i32
      %lt3A_66 = arith.constant 0 : i32
      %lt3A_67 = arith.cmpi slt, %select_n3A_61, %lt3A_66 : i32
      %ne3A_68 = arith.xori %lt3A_65, %lt3A_67 : i1
      %and3A_69 = arith.andi %ne3A_68, %ne3A_64 : i1
      %add3A_70 = arith.addi %rem3A_62, %select_n3A_61 : i32
      %select_n3A_71 = arith.select %and3A_69, %add3A_70, %rem3A_62 : i32
      %mul3A_72 = arith.constant 1 : i32
      %mul3A_73 = arith.muli %mul3A_72, %select_n3A_56 : i32
      %mul3A_74 = arith.constant 128 : i32
      %mul3A_75 = arith.muli %mul3A_74, %select_n3A_71 : i32
      %dma_start3A = arith.constant 0 : i32
      %dma_start3A_76 = arith.constant 0 : i32
      %dma_start3A_77 = tpu.memref_slice %run_scoped3A[%rem3A_38, %dma_start3A, %dma_start3A_76] : memref<2x1x128xi32, #tpu.memory_space<vmem>> -> memref<1x1x128xi32, #tpu.memory_space<vmem>>
      %dma_start3A_78 = tpu.memref_squeeze %dma_start3A_77 : memref<1x1x128xi32, #tpu.memory_space<vmem>> -> memref<1x128xi32, #tpu.memory_space<vmem>>
      %dma_start3A_79 = tpu.memref_slice %arg3[%mul3A_73, %mul3A_75] : memref<3x16384xi32, #tpu.memory_space<hbm>> -> memref<1x128xi32, #tpu.memory_space<hbm>>
      %dma_start3A_80 = tpu.memref_slice %run_scoped3A_7[%rem3A_38] : memref<2x!tpu.dma_semaphore, #tpu.memory_space<semaphore_mem>> -> memref<1x!tpu.dma_semaphore, #tpu.memory_space<semaphore_mem>>
      %dma_start3A_81 = tpu.memref_squeeze %dma_start3A_80 : memref<1x!tpu.dma_semaphore, #tpu.memory_space<semaphore_mem>> -> memref<!tpu.dma_semaphore, #tpu.memory_space<semaphore_mem>>
      %dma_start3A_82 = arith.constant 0 : i32
      %dma_start3A_83 = arith.constant 0 : i32
      %dma_start3A_84 = tpu.memref_slice %run_scoped3A[%rem3A_38, %dma_start3A_82, %dma_start3A_83] : memref<2x1x128xi32, #tpu.memory_space<vmem>> -> memref<1x1x128xi32, #tpu.memory_space<vmem>>
      %dma_start3A_85 = tpu.memref_squeeze %dma_start3A_84 : memref<1x1x128xi32, #tpu.memory_space<vmem>> -> memref<1x128xi32, #tpu.memory_space<vmem>>
      %dma_start3A_86 = tpu.memref_slice %arg3[%mul3A_73, %mul3A_75] : memref<3x16384xi32, #tpu.memory_space<hbm>> -> memref<1x128xi32, #tpu.memory_space<hbm>>
      tpu.enqueue_dma source(%dma_start3A_86 : memref<1x128xi32, #tpu.memory_space<hbm>>) target(%dma_start3A_85 : memref<1x128xi32, #tpu.memory_space<vmem>>) target_semaphore(%dma_start3A_81 : memref<!tpu.dma_semaphore, #tpu.memory_space<semaphore_mem>>)
      %add3A_87 = arith.constant 0 : i32
      %add3A_88 = arith.constant 1 : i32
      %add3A_89 = arith.addi %add3A_87, %add3A_88 : i32
      %select_n3A_90 = arith.constant true
      %select_n3A_91 = arith.constant 0 : i32
      %select_n3A_92 = arith.select %select_n3A_90, %add3A_89, %select_n3A_91 : i32
      "tpu.trace_stop"() : () -> ()
      %scan3A = arith.constant 0 : i32
      %scan3A_93 = arith.constant 0 : i32
      %scan3A_94 = arith.constant 0 : i32
      %scan3A_95 = arith.constant 0 : i32
      %scan3A_96 = arith.constant 0 : i32
      %scan3A_97 = arith.constant 12 : i32
      %scan3A_98 = arith.addi %scan3A_96, %scan3A_97 : i32
      %scan3A_99 = arith.constant 1 : i32
      %scan3A_100:5 = scf.for %scan3A_155 = %scan3A_96 to %scan3A_98 step %scan3A_99 iter_args(%scan3A_156 = %select_n3A_92, %scan3A_157 = %scan3A, %scan3A_158 = %scan3A_93, %scan3A_159 = %scan3A_94, %scan3A_160 = %scan3A_95) -> (i32, i32, i32, i32, i32)  : i32 {
        %eq3A_161 = arith.constant 0 : i32
        %eq3A_162 = arith.cmpi eq, %scan3A_155, %eq3A_161 : i32
        %eq3A_163 = arith.constant 11 : i32
        %eq3A_164 = arith.cmpi eq, %scan3A_155, %eq3A_163 : i32
        %add3A_165 = arith.addi %scan3A_160, %mul3A_6 : i32
        %sub3A_166 = arith.constant 1 : i32
        %sub3A_167 = arith.subi %scan3A_160, %sub3A_166 : i32
        %select_n3A_168 = arith.constant true
        %select_n3A_169 = arith.select %select_n3A_168, %sub3A_167, %scan3A_160 : i32
        %eq3A_170 = arith.constant -1 : i32
        %eq3A_171 = arith.cmpi eq, %select_n3A_169, %eq3A_170 : i32
        %select_n3A_172 = arith.constant 11 : i32
        %select_n3A_173 = arith.select %eq3A_171, %select_n3A_172, %select_n3A_169 : i32
        %add3A_174 = arith.addi %select_n3A_173, %mul3A_6 : i32
        %add3A_175 = arith.constant 1 : i32
        %add3A_176 = arith.addi %scan3A_160, %add3A_175 : i32
        %select_n3A_177 = arith.constant true
        %select_n3A_178 = arith.select %select_n3A_177, %add3A_176, %scan3A_160 : i32
        %eq3A_179 = arith.constant 12 : i32
        %eq3A_180 = arith.cmpi eq, %select_n3A_178, %eq3A_179 : i32
        %select_n3A_181 = arith.constant 0 : i32
        %select_n3A_182 = arith.select %eq3A_180, %select_n3A_181, %select_n3A_178 : i32
        %add3A_183 = arith.addi %select_n3A_182, %mul3A_6 : i32
        %add3A_184 = arith.constant 1 : i32
        %add3A_185 = arith.addi %select_n3A_182, %add3A_184 : i32
        %select_n3A_186 = arith.constant true
        %select_n3A_187 = arith.select %select_n3A_186, %add3A_185, %select_n3A_182 : i32
        %eq3A_188 = arith.constant 12 : i32
        %eq3A_189 = arith.cmpi eq, %select_n3A_187, %eq3A_188 : i32
        %select_n3A_190 = arith.constant 0 : i32
        %select_n3A_191 = arith.select %eq3A_189, %select_n3A_190, %select_n3A_187 : i32
        %add3A_192 = arith.addi %select_n3A_191, %mul3A_6 : i32
        %jit3A_193 = arith.constant 128 : i32
        %div3A_194 = arith.divsi %add3A_165, %jit3A_193 : i32
        %sign3A_195 = arith.constant 0 : i32
        %sign3A_196 = arith.cmpi sgt, %add3A_165, %sign3A_195 : i32
        %sign3A_197 = arith.extui %sign3A_196 : i1 to i32
        %sign3A_198 = arith.constant 0 : i32
        %sign3A_199 = arith.cmpi slt, %add3A_165, %sign3A_198 : i32
        %sign3A_200 = arith.extui %sign3A_199 : i1 to i32
        %sign3A_201 = arith.subi %sign3A_197, %sign3A_200 : i32
        %sign3A_202 = arith.constant 0 : i32
        %sign3A_203 = arith.cmpi sgt, %jit3A_193, %sign3A_202 : i32
        %sign3A_204 = arith.extui %sign3A_203 : i1 to i32
        %sign3A_205 = arith.constant 0 : i32
        %sign3A_206 = arith.cmpi slt, %jit3A_193, %sign3A_205 : i32
        %sign3A_207 = arith.extui %sign3A_206 : i1 to i32
        %sign3A_208 = arith.subi %sign3A_204, %sign3A_207 : i32
        %ne3A_209 = arith.cmpi ne, %sign3A_201, %sign3A_208 : i32
        %rem3A_210 = arith.remsi %add3A_165, %jit3A_193 : i32
        %ne3A_211 = arith.constant 0 : i32
        %ne3A_212 = arith.cmpi ne, %rem3A_210, %ne3A_211 : i32
        %and3A_213 = arith.andi %ne3A_209, %ne3A_212 : i1
        %sub3A_214 = arith.constant 1 : i32
        %sub3A_215 = arith.subi %div3A_194, %sub3A_214 : i32
        %select_n3A_216 = arith.select %and3A_213, %sub3A_215, %div3A_194 : i32
        %jit3A_217 = arith.constant 128 : i32
        %eq3A_218 = arith.constant 0 : i32
        %eq3A_219 = arith.cmpi eq, %jit3A_217, %eq3A_218 : i32
        %jit3A_220 = arith.constant 1 : i32
        %select_n3A_221 = arith.select %eq3A_219, %jit3A_220, %jit3A_217 : i32
        %rem3A_222 = arith.remsi %add3A_165, %select_n3A_221 : i32
        %ne3A_223 = arith.constant 0 : i32
        %ne3A_224 = arith.cmpi ne, %rem3A_222, %ne3A_223 : i32
        %lt3A_225 = arith.constant 0 : i32
        %lt3A_226 = arith.cmpi slt, %rem3A_222, %lt3A_225 : i32
        %lt3A_227 = arith.constant 0 : i32
        %lt3A_228 = arith.cmpi slt, %select_n3A_221, %lt3A_227 : i32
        %ne3A_229 = arith.xori %lt3A_226, %lt3A_228 : i1
        %and3A_230 = arith.andi %ne3A_229, %ne3A_224 : i1
        %add3A_231 = arith.addi %rem3A_222, %select_n3A_221 : i32
        %select_n3A_232 = arith.select %and3A_230, %add3A_231, %rem3A_222 : i32
        %jit3A_233 = arith.constant 128 : i32
        %div3A_234 = arith.divsi %add3A_183, %jit3A_233 : i32
        %sign3A_235 = arith.constant 0 : i32
        %sign3A_236 = arith.cmpi sgt, %add3A_183, %sign3A_235 : i32
        %sign3A_237 = arith.extui %sign3A_236 : i1 to i32
        %sign3A_238 = arith.constant 0 : i32
        %sign3A_239 = arith.cmpi slt, %add3A_183, %sign3A_238 : i32
        %sign3A_240 = arith.extui %sign3A_239 : i1 to i32
        %sign3A_241 = arith.subi %sign3A_237, %sign3A_240 : i32
        %sign3A_242 = arith.constant 0 : i32
        %sign3A_243 = arith.cmpi sgt, %jit3A_233, %sign3A_242 : i32
        %sign3A_244 = arith.extui %sign3A_243 : i1 to i32
        %sign3A_245 = arith.constant 0 : i32
        %sign3A_246 = arith.cmpi slt, %jit3A_233, %sign3A_245 : i32
        %sign3A_247 = arith.extui %sign3A_246 : i1 to i32
        %sign3A_248 = arith.subi %sign3A_244, %sign3A_247 : i32
        %ne3A_249 = arith.cmpi ne, %sign3A_241, %sign3A_248 : i32
        %rem3A_250 = arith.remsi %add3A_183, %jit3A_233 : i32
        %ne3A_251 = arith.constant 0 : i32
        %ne3A_252 = arith.cmpi ne, %rem3A_250, %ne3A_251 : i32
        %and3A_253 = arith.andi %ne3A_249, %ne3A_252 : i1
        %sub3A_254 = arith.constant 1 : i32
        %sub3A_255 = arith.subi %div3A_234, %sub3A_254 : i32
        %select_n3A_256 = arith.select %and3A_253, %sub3A_255, %div3A_234 : i32
        %jit3A_257 = arith.constant 128 : i32
        %eq3A_258 = arith.constant 0 : i32
        %eq3A_259 = arith.cmpi eq, %jit3A_257, %eq3A_258 : i32
        %jit3A_260 = arith.constant 1 : i32
        %select_n3A_261 = arith.select %eq3A_259, %jit3A_260, %jit3A_257 : i32
        %rem3A_262 = arith.remsi %add3A_183, %select_n3A_261 : i32
        %ne3A_263 = arith.constant 0 : i32
        %ne3A_264 = arith.cmpi ne, %rem3A_262, %ne3A_263 : i32
        %lt3A_265 = arith.constant 0 : i32
        %lt3A_266 = arith.cmpi slt, %rem3A_262, %lt3A_265 : i32
        %lt3A_267 = arith.constant 0 : i32
        %lt3A_268 = arith.cmpi slt, %select_n3A_261, %lt3A_267 : i32
        %ne3A_269 = arith.xori %lt3A_266, %lt3A_268 : i1
        %and3A_270 = arith.andi %ne3A_269, %ne3A_264 : i1
        %add3A_271 = arith.addi %rem3A_262, %select_n3A_261 : i32
        %select_n3A_272 = arith.select %and3A_270, %add3A_271, %rem3A_262 : i32
        %ne3A_273 = arith.cmpi ne, %select_n3A_216, %select_n3A_256 : i32
        %ne3A_274 = arith.cmpi ne, %select_n3A_232, %select_n3A_272 : i32
        %or3A = arith.constant false
        %or3A_275 = arith.ori %or3A, %ne3A_273 : i1
        %or3A_276 = arith.ori %or3A_275, %ne3A_274 : i1
        %ge3A = arith.constant 11 : i32
        %ge3A_277 = arith.cmpi sge, %scan3A_155, %ge3A : i32
        %not3A = arith.constant true
        %not3A_278 = arith.xori %ge3A_277, %not3A : i1
        %and3A_279 = arith.andi %or3A_276, %not3A_278 : i1
        %convert_element_type3A = arith.extui %and3A_279 : i1 to i32
        %cond3A = arith.constant 0 : i32
        %cond3A_280 = arith.cmpi ne, %convert_element_type3A, %cond3A : i32
        scf.if %cond3A_280 {
          "tpu.trace_start"() <{level = 10 : i32, message = "ep_copy_in"}> : () -> ()
          %rem3A_710 = arith.constant 2 : i32
          %rem3A_711 = arith.remui %scan3A_156, %rem3A_710 : i32
          %jit3A_712 = arith.constant 128 : i32
          %div3A_713 = arith.divsi %add3A_183, %jit3A_712 : i32
          %sign3A_714 = arith.constant 0 : i32
          %sign3A_715 = arith.cmpi sgt, %add3A_183, %sign3A_714 : i32
          %sign3A_716 = arith.extui %sign3A_715 : i1 to i32
          %sign3A_717 = arith.constant 0 : i32
          %sign3A_718 = arith.cmpi slt, %add3A_183, %sign3A_717 : i32
          %sign3A_719 = arith.extui %sign3A_718 : i1 to i32
          %sign3A_720 = arith.subi %sign3A_716, %sign3A_719 : i32
          %sign3A_721 = arith.constant 0 : i32
          %sign3A_722 = arith.cmpi sgt, %jit3A_712, %sign3A_721 : i32
          %sign3A_723 = arith.extui %sign3A_722 : i1 to i32
          %sign3A_724 = arith.constant 0 : i32
          %sign3A_725 = arith.cmpi slt, %jit3A_712, %sign3A_724 : i32
          %sign3A_726 = arith.extui %sign3A_725 : i1 to i32
          %sign3A_727 = arith.subi %sign3A_723, %sign3A_726 : i32
          %ne3A_728 = arith.cmpi ne, %sign3A_720, %sign3A_727 : i32
          %rem3A_729 = arith.remsi %add3A_183, %jit3A_712 : i32
          %ne3A_730 = arith.constant 0 : i32
          %ne3A_731 = arith.cmpi ne, %rem3A_729, %ne3A_730 : i32
          %and3A_732 = arith.andi %ne3A_728, %ne3A_731 : i1
          %sub3A_733 = arith.constant 1 : i32
          %sub3A_734 = arith.subi %div3A_713, %sub3A_733 : i32
          %select_n3A_735 = arith.select %and3A_732, %sub3A_734, %div3A_713 : i32
          %jit3A_736 = arith.constant 128 : i32
          %eq3A_737 = arith.constant 0 : i32
          %eq3A_738 = arith.cmpi eq, %jit3A_736, %eq3A_737 : i32
          %jit3A_739 = arith.constant 1 : i32
          %select_n3A_740 = arith.select %eq3A_738, %jit3A_739, %jit3A_736 : i32
          %rem3A_741 = arith.remsi %add3A_183, %select_n3A_740 : i32
          %ne3A_742 = arith.constant 0 : i32
          %ne3A_743 = arith.cmpi ne, %rem3A_741, %ne3A_742 : i32
          %lt3A_744 = arith.constant 0 : i32
          %lt3A_745 = arith.cmpi slt, %rem3A_741, %lt3A_744 : i32
          %lt3A_746 = arith.constant 0 : i32
          %lt3A_747 = arith.cmpi slt, %select_n3A_740, %lt3A_746 : i32
          %ne3A_748 = arith.xori %lt3A_745, %lt3A_747 : i1
          %and3A_749 = arith.andi %ne3A_748, %ne3A_743 : i1
          %add3A_750 = arith.addi %rem3A_741, %select_n3A_740 : i32
          %select_n3A_751 = arith.select %and3A_749, %add3A_750, %rem3A_741 : i32
          %mul3A_752 = arith.constant 1 : i32
          %mul3A_753 = arith.muli %mul3A_752, %select_n3A_735 : i32
          %mul3A_754 = arith.constant 128 : i32
          %mul3A_755 = arith.muli %mul3A_754, %select_n3A_751 : i32
          %dma_start3A_756 = arith.constant 0 : i32
          %dma_start3A_757 = arith.constant 0 : i32
          %dma_start3A_758 = tpu.memref_slice %run_scoped3A[%rem3A_711, %dma_start3A_756, %dma_start3A_757] : memref<2x1x128xi32, #tpu.memory_space<vmem>> -> memref<1x1x128xi32, #tpu.memory_space<vmem>>
          %dma_start3A_759 = tpu.memref_squeeze %dma_start3A_758 : memref<1x1x128xi32, #tpu.memory_space<vmem>> -> memref<1x128xi32, #tpu.memory_space<vmem>>
          %dma_start3A_760 = tpu.memref_slice %arg3[%mul3A_753, %mul3A_755] : memref<3x16384xi32, #tpu.memory_space<hbm>> -> memref<1x128xi32, #tpu.memory_space<hbm>>
          %dma_start3A_761 = tpu.memref_slice %run_scoped3A_7[%rem3A_711] : memref<2x!tpu.dma_semaphore, #tpu.memory_space<semaphore_mem>> -> memref<1x!tpu.dma_semaphore, #tpu.memory_space<semaphore_mem>>
          %dma_start3A_762 = tpu.memref_squeeze %dma_start3A_761 : memref<1x!tpu.dma_semaphore, #tpu.memory_space<semaphore_mem>> -> memref<!tpu.dma_semaphore, #tpu.memory_space<semaphore_mem>>
          %dma_start3A_763 = arith.constant 0 : i32
          %dma_start3A_764 = arith.constant 0 : i32
          %dma_start3A_765 = tpu.memref_slice %run_scoped3A[%rem3A_711, %dma_start3A_763, %dma_start3A_764] : memref<2x1x128xi32, #tpu.memory_space<vmem>> -> memref<1x1x128xi32, #tpu.memory_space<vmem>>
          %dma_start3A_766 = tpu.memref_squeeze %dma_start3A_765 : memref<1x1x128xi32, #tpu.memory_space<vmem>> -> memref<1x128xi32, #tpu.memory_space<vmem>>
          %dma_start3A_767 = tpu.memref_slice %arg3[%mul3A_753, %mul3A_755] : memref<3x16384xi32, #tpu.memory_space<hbm>> -> memref<1x128xi32, #tpu.memory_space<hbm>>
          tpu.enqueue_dma source(%dma_start3A_767 : memref<1x128xi32, #tpu.memory_space<hbm>>) target(%dma_start3A_766 : memref<1x128xi32, #tpu.memory_space<vmem>>) target_semaphore(%dma_start3A_762 : memref<!tpu.dma_semaphore, #tpu.memory_space<semaphore_mem>>)
          "tpu.trace_stop"() : () -> ()
        } else {
        }
        %and3A_281 = arith.constant true
        %and3A_282 = arith.andi %and3A_279, %and3A_281 : i1
        %add3A_283 = arith.constant 1 : i32
        %add3A_284 = arith.addi %scan3A_156, %add3A_283 : i32
        %select_n3A_285 = arith.select %and3A_282, %add3A_284, %scan3A_156 : i32
        %ne3A_286 = arith.cmpi ne, %add3A_165, %add3A_183 : i32
        %or3A_287 = arith.constant false
        %or3A_288 = arith.ori %or3A_287, %ne3A_286 : i1
        %or3A_289 = arith.constant false
        %or3A_290 = arith.ori %or3A_288, %or3A_289 : i1
        %ge3A_291 = arith.constant 11 : i32
        %ge3A_292 = arith.cmpi sge, %scan3A_155, %ge3A_291 : i32
        %not3A_293 = arith.constant true
        %not3A_294 = arith.xori %ge3A_292, %not3A_293 : i1
        %and3A_295 = arith.andi %or3A_290, %not3A_294 : i1
        %jit3A_296 = arith.constant 128 : i32
        %div3A_297 = arith.divsi %add3A_165, %jit3A_296 : i32
        %sign3A_298 = arith.constant 0 : i32
        %sign3A_299 = arith.cmpi sgt, %add3A_165, %sign3A_298 : i32
        %sign3A_300 = arith.extui %sign3A_299 : i1 to i32
        %sign3A_301 = arith.constant 0 : i32
        %sign3A_302 = arith.cmpi slt, %add3A_165, %sign3A_301 : i32
        %sign3A_303 = arith.extui %sign3A_302 : i1 to i32
        %sign3A_304 = arith.subi %sign3A_300, %sign3A_303 : i32
        %sign3A_305 = arith.constant 0 : i32
        %sign3A_306 = arith.cmpi sgt, %jit3A_296, %sign3A_305 : i32
        %sign3A_307 = arith.extui %sign3A_306 : i1 to i32
        %sign3A_308 = arith.constant 0 : i32
        %sign3A_309 = arith.cmpi slt, %jit3A_296, %sign3A_308 : i32
        %sign3A_310 = arith.extui %sign3A_309 : i1 to i32
        %sign3A_311 = arith.subi %sign3A_307, %sign3A_310 : i32
        %ne3A_312 = arith.cmpi ne, %sign3A_304, %sign3A_311 : i32
        %rem3A_313 = arith.remsi %add3A_165, %jit3A_296 : i32
        %ne3A_314 = arith.constant 0 : i32
        %ne3A_315 = arith.cmpi ne, %rem3A_313, %ne3A_314 : i32
        %and3A_316 = arith.andi %ne3A_312, %ne3A_315 : i1
        %sub3A_317 = arith.constant 1 : i32
        %sub3A_318 = arith.subi %div3A_297, %sub3A_317 : i32
        %select_n3A_319 = arith.select %and3A_316, %sub3A_318, %div3A_297 : i32
        %jit3A_320 = arith.constant 128 : i32
        %eq3A_321 = arith.constant 0 : i32
        %eq3A_322 = arith.cmpi eq, %jit3A_320, %eq3A_321 : i32
        %jit3A_323 = arith.constant 1 : i32
        %select_n3A_324 = arith.select %eq3A_322, %jit3A_323, %jit3A_320 : i32
        %rem3A_325 = arith.remsi %add3A_165, %select_n3A_324 : i32
        %ne3A_326 = arith.constant 0 : i32
        %ne3A_327 = arith.cmpi ne, %rem3A_325, %ne3A_326 : i32
        %lt3A_328 = arith.constant 0 : i32
        %lt3A_329 = arith.cmpi slt, %rem3A_325, %lt3A_328 : i32
        %lt3A_330 = arith.constant 0 : i32
        %lt3A_331 = arith.cmpi slt, %select_n3A_324, %lt3A_330 : i32
        %ne3A_332 = arith.xori %lt3A_329, %lt3A_331 : i1
        %and3A_333 = arith.andi %ne3A_332, %ne3A_327 : i1
        %add3A_334 = arith.addi %rem3A_325, %select_n3A_324 : i32
        %select_n3A_335 = arith.select %and3A_333, %add3A_334, %rem3A_325 : i32
        %jit3A_336 = arith.constant 128 : i32
        %div3A_337 = arith.divsi %add3A_174, %jit3A_336 : i32
        %sign3A_338 = arith.constant 0 : i32
        %sign3A_339 = arith.cmpi sgt, %add3A_174, %sign3A_338 : i32
        %sign3A_340 = arith.extui %sign3A_339 : i1 to i32
        %sign3A_341 = arith.constant 0 : i32
        %sign3A_342 = arith.cmpi slt, %add3A_174, %sign3A_341 : i32
        %sign3A_343 = arith.extui %sign3A_342 : i1 to i32
        %sign3A_344 = arith.subi %sign3A_340, %sign3A_343 : i32
        %sign3A_345 = arith.constant 0 : i32
        %sign3A_346 = arith.cmpi sgt, %jit3A_336, %sign3A_345 : i32
        %sign3A_347 = arith.extui %sign3A_346 : i1 to i32
        %sign3A_348 = arith.constant 0 : i32
        %sign3A_349 = arith.cmpi slt, %jit3A_336, %sign3A_348 : i32
        %sign3A_350 = arith.extui %sign3A_349 : i1 to i32
        %sign3A_351 = arith.subi %sign3A_347, %sign3A_350 : i32
        %ne3A_352 = arith.cmpi ne, %sign3A_344, %sign3A_351 : i32
        %rem3A_353 = arith.remsi %add3A_174, %jit3A_336 : i32
        %ne3A_354 = arith.constant 0 : i32
        %ne3A_355 = arith.cmpi ne, %rem3A_353, %ne3A_354 : i32
        %and3A_356 = arith.andi %ne3A_352, %ne3A_355 : i1
        %sub3A_357 = arith.constant 1 : i32
        %sub3A_358 = arith.subi %div3A_337, %sub3A_357 : i32
        %select_n3A_359 = arith.select %and3A_356, %sub3A_358, %div3A_337 : i32
        %jit3A_360 = arith.constant 128 : i32
        %eq3A_361 = arith.constant 0 : i32
        %eq3A_362 = arith.cmpi eq, %jit3A_360, %eq3A_361 : i32
        %jit3A_363 = arith.constant 1 : i32
        %select_n3A_364 = arith.select %eq3A_362, %jit3A_363, %jit3A_360 : i32
        %rem3A_365 = arith.remsi %add3A_174, %select_n3A_364 : i32
        %ne3A_366 = arith.constant 0 : i32
        %ne3A_367 = arith.cmpi ne, %rem3A_365, %ne3A_366 : i32
        %lt3A_368 = arith.constant 0 : i32
        %lt3A_369 = arith.cmpi slt, %rem3A_365, %lt3A_368 : i32
        %lt3A_370 = arith.constant 0 : i32
        %lt3A_371 = arith.cmpi slt, %select_n3A_364, %lt3A_370 : i32
        %ne3A_372 = arith.xori %lt3A_369, %lt3A_371 : i1
        %and3A_373 = arith.andi %ne3A_372, %ne3A_367 : i1
        %add3A_374 = arith.addi %rem3A_365, %select_n3A_364 : i32
        %select_n3A_375 = arith.select %and3A_373, %add3A_374, %rem3A_365 : i32
        %ne3A_376 = arith.cmpi ne, %select_n3A_319, %select_n3A_359 : i32
        %ne3A_377 = arith.cmpi ne, %select_n3A_335, %select_n3A_375 : i32
        %or3A_378 = arith.constant false
        %or3A_379 = arith.ori %or3A_378, %ne3A_376 : i1
        %or3A_380 = arith.ori %or3A_379, %ne3A_377 : i1
        %or3A_381 = arith.ori %or3A_380, %eq3A_162 : i1
        %convert_element_type3A_382 = arith.extui %or3A_381 : i1 to i32
        %cond3A_383 = arith.constant 0 : i32
        %cond3A_384 = arith.cmpi ne, %convert_element_type3A_382, %cond3A_383 : i32
        scf.if %cond3A_384 {
          %jit3A_710 = arith.constant 128 : i32
          "tpu.trace_start"() <{level = 10 : i32, message = "ep_wait_in"}> : () -> ()
          %div3A_711 = arith.divsi %add3A_165, %jit3A_710 : i32
          %sign3A_712 = arith.constant 0 : i32
          %sign3A_713 = arith.cmpi sgt, %add3A_165, %sign3A_712 : i32
          %sign3A_714 = arith.extui %sign3A_713 : i1 to i32
          %sign3A_715 = arith.constant 0 : i32
          %sign3A_716 = arith.cmpi slt, %add3A_165, %sign3A_715 : i32
          %sign3A_717 = arith.extui %sign3A_716 : i1 to i32
          %sign3A_718 = arith.subi %sign3A_714, %sign3A_717 : i32
          %sign3A_719 = arith.constant 0 : i32
          %sign3A_720 = arith.cmpi sgt, %jit3A_710, %sign3A_719 : i32
          %sign3A_721 = arith.extui %sign3A_720 : i1 to i32
          %sign3A_722 = arith.constant 0 : i32
          %sign3A_723 = arith.cmpi slt, %jit3A_710, %sign3A_722 : i32
          %sign3A_724 = arith.extui %sign3A_723 : i1 to i32
          %sign3A_725 = arith.subi %sign3A_721, %sign3A_724 : i32
          %ne3A_726 = arith.cmpi ne, %sign3A_718, %sign3A_725 : i32
          %rem3A_727 = arith.remsi %add3A_165, %jit3A_710 : i32
          %ne3A_728 = arith.constant 0 : i32
          %ne3A_729 = arith.cmpi ne, %rem3A_727, %ne3A_728 : i32
          %and3A_730 = arith.andi %ne3A_726, %ne3A_729 : i1
          %sub3A_731 = arith.constant 1 : i32
          %sub3A_732 = arith.subi %div3A_711, %sub3A_731 : i32
          %select_n3A_733 = arith.select %and3A_730, %sub3A_732, %div3A_711 : i32
          %jit3A_734 = arith.constant 128 : i32
          %eq3A_735 = arith.constant 0 : i32
          %eq3A_736 = arith.cmpi eq, %jit3A_734, %eq3A_735 : i32
          %jit3A_737 = arith.constant 1 : i32
          %select_n3A_738 = arith.select %eq3A_736, %jit3A_737, %jit3A_734 : i32
          %rem3A_739 = arith.remsi %add3A_165, %select_n3A_738 : i32
          %ne3A_740 = arith.constant 0 : i32
          %ne3A_741 = arith.cmpi ne, %rem3A_739, %ne3A_740 : i32
          %lt3A_742 = arith.constant 0 : i32
          %lt3A_743 = arith.cmpi slt, %rem3A_739, %lt3A_742 : i32
          %lt3A_744 = arith.constant 0 : i32
          %lt3A_745 = arith.cmpi slt, %select_n3A_738, %lt3A_744 : i32
          %ne3A_746 = arith.xori %lt3A_743, %lt3A_745 : i1
          %and3A_747 = arith.andi %ne3A_746, %ne3A_741 : i1
          %add3A_748 = arith.addi %rem3A_739, %select_n3A_738 : i32
          %select_n3A_749 = arith.select %and3A_747, %add3A_748, %rem3A_739 : i32
          %mul3A_750 = arith.constant 1 : i32
          %mul3A_751 = arith.muli %mul3A_750, %select_n3A_733 : i32
          %mul3A_752 = arith.constant 128 : i32
          %mul3A_753 = arith.muli %mul3A_752, %select_n3A_749 : i32
          %rem3A_754 = arith.constant 2 : i32
          %rem3A_755 = arith.remui %scan3A_157, %rem3A_754 : i32
          %dma_wait3A_756 = arith.constant 0 : i32
          %dma_wait3A_757 = arith.constant 0 : i32
          %dma_wait3A_758 = tpu.memref_slice %run_scoped3A[%rem3A_755, %dma_wait3A_756, %dma_wait3A_757] : memref<2x1x128xi32, #tpu.memory_space<vmem>> -> memref<1x1x128xi32, #tpu.memory_space<vmem>>
          %dma_wait3A_759 = tpu.memref_squeeze %dma_wait3A_758 : memref<1x1x128xi32, #tpu.memory_space<vmem>> -> memref<1x128xi32, #tpu.memory_space<vmem>>
          %dma_wait3A_760 = tpu.memref_slice %arg3[%mul3A_751, %mul3A_753] : memref<3x16384xi32, #tpu.memory_space<hbm>> -> memref<1x128xi32, #tpu.memory_space<hbm>>
          %dma_wait3A_761 = tpu.memref_slice %run_scoped3A_7[%rem3A_755] : memref<2x!tpu.dma_semaphore, #tpu.memory_space<semaphore_mem>> -> memref<1x!tpu.dma_semaphore, #tpu.memory_space<semaphore_mem>>
          %dma_wait3A_762 = tpu.memref_squeeze %dma_wait3A_761 : memref<1x!tpu.dma_semaphore, #tpu.memory_space<semaphore_mem>> -> memref<!tpu.dma_semaphore, #tpu.memory_space<semaphore_mem>>
          %dma_wait3A_763 = arith.constant 0 : i32
          %dma_wait3A_764 = arith.constant 0 : i32
          %dma_wait3A_765 = tpu.memref_slice %run_scoped3A[%rem3A_755, %dma_wait3A_763, %dma_wait3A_764] : memref<2x1x128xi32, #tpu.memory_space<vmem>> -> memref<1x1x128xi32, #tpu.memory_space<vmem>>
          %dma_wait3A_766 = tpu.memref_squeeze %dma_wait3A_765 : memref<1x1x128xi32, #tpu.memory_space<vmem>> -> memref<1x128xi32, #tpu.memory_space<vmem>>
          %dma_wait3A_767 = tpu.memref_slice %arg3[%mul3A_751, %mul3A_753] : memref<3x16384xi32, #tpu.memory_space<hbm>> -> memref<1x128xi32, #tpu.memory_space<hbm>>
          tpu.wait_dma2 semaphore(%dma_wait3A_762 : memref<!tpu.dma_semaphore, #tpu.memory_space<semaphore_mem>>) src(%dma_wait3A_767 : memref<1x128xi32, #tpu.memory_space<hbm>>) dst(%dma_wait3A_766 : memref<1x128xi32, #tpu.memory_space<vmem>>)
          "tpu.trace_stop"() : () -> ()
        } else {
        }
        %ne3A_385 = arith.cmpi ne, %add3A_165, %add3A_174 : i32
        %or3A_386 = arith.constant false
        %or3A_387 = arith.ori %or3A_386, %ne3A_385 : i1
        %or3A_388 = arith.constant false
        %or3A_389 = arith.ori %or3A_387, %or3A_388 : i1
        %or3A_390 = arith.ori %or3A_389, %eq3A_162 : i1
        %convert_element_type3A_391 = arith.extui %or3A_390 : i1 to i32
        %cond3A_392 = arith.constant 0 : i32
        %cond3A_393 = arith.cmpi ne, %convert_element_type3A_391, %cond3A_392 : i32
        scf.if %cond3A_393 {
        } else {
        }
        %rem3A_394 = arith.constant 2 : i32
        %rem3A_395 = arith.remui %scan3A_157, %rem3A_394 : i32
        %rem3A_396 = arith.constant 2 : i32
        %rem3A_397 = arith.remui %scan3A_158, %rem3A_396 : i32
        %run_scoped3A_398 = arith.constant 0 : i32
        "tpu.trace_start"() <{level = 10 : i32, message = "ep_run_kernel"}> : () -> ()
        "tpu.region"() ({
          %run_scoped3A_710 = tpu.sem_alloc : memref<!tpu.dma_semaphore, #tpu.memory_space<semaphore_mem>>
          %dma_start3A_711 = arith.constant 0 : i32
          %dma_start3A_712 = arith.constant 0 : i32
          %dma_start3A_713 = tpu.memref_slice %run_scoped3A_8[%rem3A_397, %dma_start3A_711, %dma_start3A_712] : memref<2x128x256xf32, #tpu.memory_space<vmem>> -> memref<1x128x256xf32, #tpu.memory_space<vmem>>
          %dma_start3A_714 = tpu.memref_squeeze %dma_start3A_713 : memref<1x128x256xf32, #tpu.memory_space<vmem>> -> memref<128x256xf32, #tpu.memory_space<vmem>>
          %dma_start3A_715 = arith.constant 0 : i32
          %dma_start3A_716 = arith.constant 0 : i32
          %dma_start3A_717 = tpu.memref_slice %run_scoped3A[%rem3A_395, %dma_start3A_715, %dma_start3A_716] : memref<2x1x128xi32, #tpu.memory_space<vmem>> -> memref<1x1x128xi32, #tpu.memory_space<vmem>>
          %dma_start3A_718 = tpu.memref_squeeze %dma_start3A_717 : memref<1x1x128xi32, #tpu.memory_space<vmem>> -> memref<1x128xi32, #tpu.memory_space<vmem>>
          %dma_start3A_719 = arith.constant 0 : i32
          %dma_start3A_720 = tpu.memref_slice %dma_start3A_718[%run_scoped3A_398, %dma_start3A_719] : memref<1x128xi32, #tpu.memory_space<vmem>> -> memref<1x128xi32, #tpu.memory_space<vmem>>
          %dma_start3A_721 = tpu.memref_squeeze %dma_start3A_720 : memref<1x128xi32, #tpu.memory_space<vmem>> -> memref<128xi32, #tpu.memory_space<vmem>>
          %dma_start3A_722 = arith.constant 0 : i32
          %dma_start3A_723 = arith.constant 0 : i32
          %dma_start3A_724 = tpu.memref_slice %arg2[%dma_start3A_722, %dma_start3A_723] : memref<4096x256xf32, #tpu.memory_space<hbm>> -> memref<4096x256xf32, #tpu.memory_space<hbm>>
          tpu.enqueue_indirect_dma source(%dma_start3A_724 : memref<4096x256xf32, #tpu.memory_space<hbm>>) target(%dma_start3A_714 : memref<128x256xf32, #tpu.memory_space<vmem>>) offsets(%dma_start3A_721 : memref<128xi32, #tpu.memory_space<vmem>>) semaphore(%run_scoped3A_710 : memref<!tpu.dma_semaphore, #tpu.memory_space<semaphore_mem>>)
          %dma_wait3A_725 = arith.constant 0 : i32
          %dma_wait3A_726 = arith.constant 0 : i32
          %dma_wait3A_727 = tpu.memref_slice %run_scoped3A_8[%rem3A_397, %dma_wait3A_725, %dma_wait3A_726] : memref<2x128x256xf32, #tpu.memory_space<vmem>> -> memref<1x128x256xf32, #tpu.memory_space<vmem>>
          %dma_wait3A_728 = tpu.memref_squeeze %dma_wait3A_727 : memref<1x128x256xf32, #tpu.memory_space<vmem>> -> memref<128x256xf32, #tpu.memory_space<vmem>>
          %dma_wait3A_729 = arith.constant 0 : i32
          %dma_wait3A_730 = arith.constant 0 : i32
          %dma_wait3A_731 = tpu.memref_slice %run_scoped3A[%rem3A_395, %dma_wait3A_729, %dma_wait3A_730] : memref<2x1x128xi32, #tpu.memory_space<vmem>> -> memref<1x1x128xi32, #tpu.memory_space<vmem>>
          %dma_wait3A_732 = tpu.memref_squeeze %dma_wait3A_731 : memref<1x1x128xi32, #tpu.memory_space<vmem>> -> memref<1x128xi32, #tpu.memory_space<vmem>>
          %dma_wait3A_733 = arith.constant 0 : i32
          %dma_wait3A_734 = tpu.memref_slice %dma_wait3A_732[%run_scoped3A_398, %dma_wait3A_733] : memref<1x128xi32, #tpu.memory_space<vmem>> -> memref<1x128xi32, #tpu.memory_space<vmem>>
          %dma_wait3A_735 = tpu.memref_squeeze %dma_wait3A_734 : memref<1x128xi32, #tpu.memory_space<vmem>> -> memref<128xi32, #tpu.memory_space<vmem>>
          %dma_wait3A_736 = arith.constant 0 : i32
          %dma_wait3A_737 = arith.constant 0 : i32
          %dma_wait3A_738 = tpu.memref_slice %arg2[%dma_wait3A_736, %dma_wait3A_737] : memref<4096x256xf32, #tpu.memory_space<hbm>> -> memref<4096x256xf32, #tpu.memory_space<hbm>>
          tpu.wait_indirect_dma semaphore(%run_scoped3A_710 : memref<!tpu.dma_semaphore, #tpu.memory_space<semaphore_mem>>) src(%dma_wait3A_738 : memref<4096x256xf32, #tpu.memory_space<hbm>>) dst(%dma_wait3A_728 : memref<128x256xf32, #tpu.memory_space<vmem>>)
          tpu.yield
        }) : () -> ()
        %jit3A_399 = arith.constant 128 : i32
        "tpu.trace_stop"() : () -> ()
        %div3A_400 = arith.divsi %add3A_165, %jit3A_399 : i32
        %sign3A_401 = arith.constant 0 : i32
        %sign3A_402 = arith.cmpi sgt, %add3A_165, %sign3A_401 : i32
        %sign3A_403 = arith.extui %sign3A_402 : i1 to i32
        %sign3A_404 = arith.constant 0 : i32
        %sign3A_405 = arith.cmpi slt, %add3A_165, %sign3A_404 : i32
        %sign3A_406 = arith.extui %sign3A_405 : i1 to i32
        %sign3A_407 = arith.subi %sign3A_403, %sign3A_406 : i32
        %sign3A_408 = arith.constant 0 : i32
        %sign3A_409 = arith.cmpi sgt, %jit3A_399, %sign3A_408 : i32
        %sign3A_410 = arith.extui %sign3A_409 : i1 to i32
        %sign3A_411 = arith.constant 0 : i32
        %sign3A_412 = arith.cmpi slt, %jit3A_399, %sign3A_411 : i32
        %sign3A_413 = arith.extui %sign3A_412 : i1 to i32
        %sign3A_414 = arith.subi %sign3A_410, %sign3A_413 : i32
        %ne3A_415 = arith.cmpi ne, %sign3A_407, %sign3A_414 : i32
        %rem3A_416 = arith.remsi %add3A_165, %jit3A_399 : i32
        %ne3A_417 = arith.constant 0 : i32
        %ne3A_418 = arith.cmpi ne, %rem3A_416, %ne3A_417 : i32
        %and3A_419 = arith.andi %ne3A_415, %ne3A_418 : i1
        %sub3A_420 = arith.constant 1 : i32
        %sub3A_421 = arith.subi %div3A_400, %sub3A_420 : i32
        %select_n3A_422 = arith.select %and3A_419, %sub3A_421, %div3A_400 : i32
        %jit3A_423 = arith.constant 128 : i32
        %eq3A_424 = arith.constant 0 : i32
        %eq3A_425 = arith.cmpi eq, %jit3A_423, %eq3A_424 : i32
        %jit3A_426 = arith.constant 1 : i32
        %select_n3A_427 = arith.select %eq3A_425, %jit3A_426, %jit3A_423 : i32
        %rem3A_428 = arith.remsi %add3A_165, %select_n3A_427 : i32
        %ne3A_429 = arith.constant 0 : i32
        %ne3A_430 = arith.cmpi ne, %rem3A_428, %ne3A_429 : i32
        %lt3A_431 = arith.constant 0 : i32
        %lt3A_432 = arith.cmpi slt, %rem3A_428, %lt3A_431 : i32
        %lt3A_433 = arith.constant 0 : i32
        %lt3A_434 = arith.cmpi slt, %select_n3A_427, %lt3A_433 : i32
        %ne3A_435 = arith.xori %lt3A_432, %lt3A_434 : i1
        %and3A_436 = arith.andi %ne3A_435, %ne3A_430 : i1
        %add3A_437 = arith.addi %rem3A_428, %select_n3A_427 : i32
        %select_n3A_438 = arith.select %and3A_436, %add3A_437, %rem3A_428 : i32
        %jit3A_439 = arith.constant 128 : i32
        %div3A_440 = arith.divsi %add3A_183, %jit3A_439 : i32
        %sign3A_441 = arith.constant 0 : i32
        %sign3A_442 = arith.cmpi sgt, %add3A_183, %sign3A_441 : i32
        %sign3A_443 = arith.extui %sign3A_442 : i1 to i32
        %sign3A_444 = arith.constant 0 : i32
        %sign3A_445 = arith.cmpi slt, %add3A_183, %sign3A_444 : i32
        %sign3A_446 = arith.extui %sign3A_445 : i1 to i32
        %sign3A_447 = arith.subi %sign3A_443, %sign3A_446 : i32
        %sign3A_448 = arith.constant 0 : i32
        %sign3A_449 = arith.cmpi sgt, %jit3A_439, %sign3A_448 : i32
        %sign3A_450 = arith.extui %sign3A_449 : i1 to i32
        %sign3A_451 = arith.constant 0 : i32
        %sign3A_452 = arith.cmpi slt, %jit3A_439, %sign3A_451 : i32
        %sign3A_453 = arith.extui %sign3A_452 : i1 to i32
        %sign3A_454 = arith.subi %sign3A_450, %sign3A_453 : i32
        %ne3A_455 = arith.cmpi ne, %sign3A_447, %sign3A_454 : i32
        %rem3A_456 = arith.remsi %add3A_183, %jit3A_439 : i32
        %ne3A_457 = arith.constant 0 : i32
        %ne3A_458 = arith.cmpi ne, %rem3A_456, %ne3A_457 : i32
        %and3A_459 = arith.andi %ne3A_455, %ne3A_458 : i1
        %sub3A_460 = arith.constant 1 : i32
        %sub3A_461 = arith.subi %div3A_440, %sub3A_460 : i32
        %select_n3A_462 = arith.select %and3A_459, %sub3A_461, %div3A_440 : i32
        %jit3A_463 = arith.constant 128 : i32
        %eq3A_464 = arith.constant 0 : i32
        %eq3A_465 = arith.cmpi eq, %jit3A_463, %eq3A_464 : i32
        %jit3A_466 = arith.constant 1 : i32
        %select_n3A_467 = arith.select %eq3A_465, %jit3A_466, %jit3A_463 : i32
        %rem3A_468 = arith.remsi %add3A_183, %select_n3A_467 : i32
        %ne3A_469 = arith.constant 0 : i32
        %ne3A_470 = arith.cmpi ne, %rem3A_468, %ne3A_469 : i32
        %lt3A_471 = arith.constant 0 : i32
        %lt3A_472 = arith.cmpi slt, %rem3A_468, %lt3A_471 : i32
        %lt3A_473 = arith.constant 0 : i32
        %lt3A_474 = arith.cmpi slt, %select_n3A_467, %lt3A_473 : i32
        %ne3A_475 = arith.xori %lt3A_472, %lt3A_474 : i1
        %and3A_476 = arith.andi %ne3A_475, %ne3A_470 : i1
        %add3A_477 = arith.addi %rem3A_468, %select_n3A_467 : i32
        %select_n3A_478 = arith.select %and3A_476, %add3A_477, %rem3A_468 : i32
        %ne3A_479 = arith.cmpi ne, %select_n3A_422, %select_n3A_462 : i32
        %ne3A_480 = arith.cmpi ne, %select_n3A_438, %select_n3A_478 : i32
        %or3A_481 = arith.constant false
        %or3A_482 = arith.ori %or3A_481, %ne3A_479 : i1
        %or3A_483 = arith.ori %or3A_482, %ne3A_480 : i1
        %or3A_484 = arith.ori %or3A_483, %eq3A_164 : i1
        %convert_element_type3A_485 = arith.extui %or3A_484 : i1 to i32
        %cond3A_486 = arith.constant 0 : i32
        %cond3A_487 = arith.cmpi ne, %convert_element_type3A_485, %cond3A_486 : i32
        scf.if %cond3A_487 {
        } else {
        }
        %and3A_488 = arith.constant false
        %and3A_489 = arith.andi %or3A_484, %and3A_488 : i1
        %ne3A_490 = arith.cmpi ne, %add3A_165, %add3A_183 : i32
        %or3A_491 = arith.constant false
        %or3A_492 = arith.ori %or3A_491, %ne3A_490 : i1
        %or3A_493 = arith.constant false
        %or3A_494 = arith.ori %or3A_492, %or3A_493 : i1
        %or3A_495 = arith.ori %or3A_494, %eq3A_164 : i1
        %convert_element_type3A_496 = arith.extui %or3A_495 : i1 to i32
        %cond3A_497 = arith.constant 0 : i32
        %cond3A_498 = arith.cmpi ne, %convert_element_type3A_496, %cond3A_497 : i32
        scf.if %cond3A_498 {
          "tpu.trace_start"() <{level = 10 : i32, message = "ep_copy_out"}> : () -> ()
          %rem3A_710 = arith.constant 2 : i32
          %rem3A_711 = arith.remui %scan3A_158, %rem3A_710 : i32
          %mul3A_712 = arith.constant 128 : i32
          %mul3A_713 = arith.muli %mul3A_712, %add3A_165 : i32
          %dma_start3A_714 = arith.constant 0 : i32
          %dma_start3A_715 = arith.constant 0 : i32
          %dma_start3A_716 = tpu.memref_slice %run_scoped3A_8[%rem3A_711, %dma_start3A_714, %dma_start3A_715] : memref<2x128x256xf32, #tpu.memory_space<vmem>> -> memref<1x128x256xf32, #tpu.memory_space<vmem>>
          %dma_start3A_717 = tpu.memref_squeeze %dma_start3A_716 : memref<1x128x256xf32, #tpu.memory_space<vmem>> -> memref<128x256xf32, #tpu.memory_space<vmem>>
          %dma_start3A_718 = arith.constant 0 : i32
          %dma_start3A_719 = tpu.memref_slice %arg4[%mul3A_713, %dma_start3A_718] : memref<49152x256xf32, #tpu.memory_space<hbm>> -> memref<128x256xf32, #tpu.memory_space<hbm>>
          %dma_start3A_720 = tpu.memref_slice %run_scoped3A_9[%rem3A_711] : memref<2x!tpu.dma_semaphore, #tpu.memory_space<semaphore_mem>> -> memref<1x!tpu.dma_semaphore, #tpu.memory_space<semaphore_mem>>
          %dma_start3A_721 = tpu.memref_squeeze %dma_start3A_720 : memref<1x!tpu.dma_semaphore, #tpu.memory_space<semaphore_mem>> -> memref<!tpu.dma_semaphore, #tpu.memory_space<semaphore_mem>>
          %dma_start3A_722 = arith.constant 0 : i32
          %dma_start3A_723 = tpu.memref_slice %arg4[%mul3A_713, %dma_start3A_722] : memref<49152x256xf32, #tpu.memory_space<hbm>> -> memref<128x256xf32, #tpu.memory_space<hbm>>
          %dma_start3A_724 = arith.constant 0 : i32
          %dma_start3A_725 = arith.constant 0 : i32
          %dma_start3A_726 = tpu.memref_slice %run_scoped3A_8[%rem3A_711, %dma_start3A_724, %dma_start3A_725] : memref<2x128x256xf32, #tpu.memory_space<vmem>> -> memref<1x128x256xf32, #tpu.memory_space<vmem>>
          %dma_start3A_727 = tpu.memref_squeeze %dma_start3A_726 : memref<1x128x256xf32, #tpu.memory_space<vmem>> -> memref<128x256xf32, #tpu.memory_space<vmem>>
          tpu.enqueue_dma source(%dma_start3A_727 : memref<128x256xf32, #tpu.memory_space<vmem>>) target(%dma_start3A_723 : memref<128x256xf32, #tpu.memory_space<hbm>>) target_semaphore(%dma_start3A_721 : memref<!tpu.dma_semaphore, #tpu.memory_space<semaphore_mem>>)
          "tpu.trace_stop"() : () -> ()
        } else {
        }
        %and3A_499 = arith.constant true
        %and3A_500 = arith.andi %or3A_495, %and3A_499 : i1
        %add3A_501 = arith.constant 1 : i32
        %add3A_502 = arith.addi %scan3A_158, %add3A_501 : i32
        %select_n3A_503 = arith.select %and3A_500, %add3A_502, %scan3A_158 : i32
        %jit3A_504 = arith.constant 128 : i32
        %div3A_505 = arith.divsi %add3A_165, %jit3A_504 : i32
        %sign3A_506 = arith.constant 0 : i32
        %sign3A_507 = arith.cmpi sgt, %add3A_165, %sign3A_506 : i32
        %sign3A_508 = arith.extui %sign3A_507 : i1 to i32
        %sign3A_509 = arith.constant 0 : i32
        %sign3A_510 = arith.cmpi slt, %add3A_165, %sign3A_509 : i32
        %sign3A_511 = arith.extui %sign3A_510 : i1 to i32
        %sign3A_512 = arith.subi %sign3A_508, %sign3A_511 : i32
        %sign3A_513 = arith.constant 0 : i32
        %sign3A_514 = arith.cmpi sgt, %jit3A_504, %sign3A_513 : i32
        %sign3A_515 = arith.extui %sign3A_514 : i1 to i32
        %sign3A_516 = arith.constant 0 : i32
        %sign3A_517 = arith.cmpi slt, %jit3A_504, %sign3A_516 : i32
        %sign3A_518 = arith.extui %sign3A_517 : i1 to i32
        %sign3A_519 = arith.subi %sign3A_515, %sign3A_518 : i32
        %ne3A_520 = arith.cmpi ne, %sign3A_512, %sign3A_519 : i32
        %rem3A_521 = arith.remsi %add3A_165, %jit3A_504 : i32
        %ne3A_522 = arith.constant 0 : i32
        %ne3A_523 = arith.cmpi ne, %rem3A_521, %ne3A_522 : i32
        %and3A_524 = arith.andi %ne3A_520, %ne3A_523 : i1
        %sub3A_525 = arith.constant 1 : i32
        %sub3A_526 = arith.subi %div3A_505, %sub3A_525 : i32
        %select_n3A_527 = arith.select %and3A_524, %sub3A_526, %div3A_505 : i32
        %jit3A_528 = arith.constant 128 : i32
        %eq3A_529 = arith.constant 0 : i32
        %eq3A_530 = arith.cmpi eq, %jit3A_528, %eq3A_529 : i32
        %jit3A_531 = arith.constant 1 : i32
        %select_n3A_532 = arith.select %eq3A_530, %jit3A_531, %jit3A_528 : i32
        %rem3A_533 = arith.remsi %add3A_165, %select_n3A_532 : i32
        %ne3A_534 = arith.constant 0 : i32
        %ne3A_535 = arith.cmpi ne, %rem3A_533, %ne3A_534 : i32
        %lt3A_536 = arith.constant 0 : i32
        %lt3A_537 = arith.cmpi slt, %rem3A_533, %lt3A_536 : i32
        %lt3A_538 = arith.constant 0 : i32
        %lt3A_539 = arith.cmpi slt, %select_n3A_532, %lt3A_538 : i32
        %ne3A_540 = arith.xori %lt3A_537, %lt3A_539 : i1
        %and3A_541 = arith.andi %ne3A_540, %ne3A_535 : i1
        %add3A_542 = arith.addi %rem3A_533, %select_n3A_532 : i32
        %select_n3A_543 = arith.select %and3A_541, %add3A_542, %rem3A_533 : i32
        %jit3A_544 = arith.constant 128 : i32
        %div3A_545 = arith.divsi %add3A_174, %jit3A_544 : i32
        %sign3A_546 = arith.constant 0 : i32
        %sign3A_547 = arith.cmpi sgt, %add3A_174, %sign3A_546 : i32
        %sign3A_548 = arith.extui %sign3A_547 : i1 to i32
        %sign3A_549 = arith.constant 0 : i32
        %sign3A_550 = arith.cmpi slt, %add3A_174, %sign3A_549 : i32
        %sign3A_551 = arith.extui %sign3A_550 : i1 to i32
        %sign3A_552 = arith.subi %sign3A_548, %sign3A_551 : i32
        %sign3A_553 = arith.constant 0 : i32
        %sign3A_554 = arith.cmpi sgt, %jit3A_544, %sign3A_553 : i32
        %sign3A_555 = arith.extui %sign3A_554 : i1 to i32
        %sign3A_556 = arith.constant 0 : i32
        %sign3A_557 = arith.cmpi slt, %jit3A_544, %sign3A_556 : i32
        %sign3A_558 = arith.extui %sign3A_557 : i1 to i32
        %sign3A_559 = arith.subi %sign3A_555, %sign3A_558 : i32
        %ne3A_560 = arith.cmpi ne, %sign3A_552, %sign3A_559 : i32
        %rem3A_561 = arith.remsi %add3A_174, %jit3A_544 : i32
        %ne3A_562 = arith.constant 0 : i32
        %ne3A_563 = arith.cmpi ne, %rem3A_561, %ne3A_562 : i32
        %and3A_564 = arith.andi %ne3A_560, %ne3A_563 : i1
        %sub3A_565 = arith.constant 1 : i32
        %sub3A_566 = arith.subi %div3A_545, %sub3A_565 : i32
        %select_n3A_567 = arith.select %and3A_564, %sub3A_566, %div3A_545 : i32
        %jit3A_568 = arith.constant 128 : i32
        %eq3A_569 = arith.constant 0 : i32
        %eq3A_570 = arith.cmpi eq, %jit3A_568, %eq3A_569 : i32
        %jit3A_571 = arith.constant 1 : i32
        %select_n3A_572 = arith.select %eq3A_570, %jit3A_571, %jit3A_568 : i32
        %rem3A_573 = arith.remsi %add3A_174, %select_n3A_572 : i32
        %ne3A_574 = arith.constant 0 : i32
        %ne3A_575 = arith.cmpi ne, %rem3A_573, %ne3A_574 : i32
        %lt3A_576 = arith.constant 0 : i32
        %lt3A_577 = arith.cmpi slt, %rem3A_573, %lt3A_576 : i32
        %lt3A_578 = arith.constant 0 : i32
        %lt3A_579 = arith.cmpi slt, %select_n3A_572, %lt3A_578 : i32
        %ne3A_580 = arith.xori %lt3A_577, %lt3A_579 : i1
        %and3A_581 = arith.andi %ne3A_580, %ne3A_575 : i1
        %add3A_582 = arith.addi %rem3A_573, %select_n3A_572 : i32
        %select_n3A_583 = arith.select %and3A_581, %add3A_582, %rem3A_573 : i32
        %ne3A_584 = arith.cmpi ne, %select_n3A_527, %select_n3A_567 : i32
        %ne3A_585 = arith.cmpi ne, %select_n3A_543, %select_n3A_583 : i32
        %or3A_586 = arith.constant false
        %or3A_587 = arith.ori %or3A_586, %ne3A_584 : i1
        %or3A_588 = arith.ori %or3A_587, %ne3A_585 : i1
        %not3A_589 = arith.constant true
        %not3A_590 = arith.xori %eq3A_162, %not3A_589 : i1
        %and3A_591 = arith.andi %or3A_588, %not3A_590 : i1
        %convert_element_type3A_592 = arith.extui %and3A_591 : i1 to i32
        %cond3A_593 = arith.constant 0 : i32
        %cond3A_594 = arith.cmpi ne, %convert_element_type3A_592, %cond3A_593 : i32
        scf.if %cond3A_594 {
        } else {
        }
        %and3A_595 = arith.constant false
        %and3A_596 = arith.andi %and3A_591, %and3A_595 : i1
        %ne3A_597 = arith.cmpi ne, %add3A_165, %add3A_174 : i32
        %or3A_598 = arith.constant false
        %or3A_599 = arith.ori %or3A_598, %ne3A_597 : i1
        %or3A_600 = arith.constant false
        %or3A_601 = arith.ori %or3A_599, %or3A_600 : i1
        %not3A_602 = arith.constant true
        %not3A_603 = arith.xori %eq3A_162, %not3A_602 : i1
        %and3A_604 = arith.andi %or3A_601, %not3A_603 : i1
        %convert_element_type3A_605 = arith.extui %and3A_604 : i1 to i32
        %cond3A_606 = arith.constant 0 : i32
        %cond3A_607 = arith.cmpi ne, %convert_element_type3A_605, %cond3A_606 : i32
        scf.if %cond3A_607 {
          "tpu.trace_start"() <{level = 10 : i32, message = "ep_wait_out"}> : () -> ()
          %rem3A_710 = arith.constant 2 : i32
          %rem3A_711 = arith.remui %scan3A_159, %rem3A_710 : i32
          %mul3A_712 = arith.constant 128 : i32
          %mul3A_713 = arith.muli %mul3A_712, %add3A_174 : i32
          %dma_wait3A_714 = arith.constant 0 : i32
          %dma_wait3A_715 = arith.constant 0 : i32
          %dma_wait3A_716 = tpu.memref_slice %run_scoped3A_8[%rem3A_711, %dma_wait3A_714, %dma_wait3A_715] : memref<2x128x256xf32, #tpu.memory_space<vmem>> -> memref<1x128x256xf32, #tpu.memory_space<vmem>>
          %dma_wait3A_717 = tpu.memref_squeeze %dma_wait3A_716 : memref<1x128x256xf32, #tpu.memory_space<vmem>> -> memref<128x256xf32, #tpu.memory_space<vmem>>
          %dma_wait3A_718 = arith.constant 0 : i32
          %dma_wait3A_719 = tpu.memref_slice %arg4[%mul3A_713, %dma_wait3A_718] : memref<49152x256xf32, #tpu.memory_space<hbm>> -> memref<128x256xf32, #tpu.memory_space<hbm>>
          %dma_wait3A_720 = tpu.memref_slice %run_scoped3A_9[%rem3A_711] : memref<2x!tpu.dma_semaphore, #tpu.memory_space<semaphore_mem>> -> memref<1x!tpu.dma_semaphore, #tpu.memory_space<semaphore_mem>>
          %dma_wait3A_721 = tpu.memref_squeeze %dma_wait3A_720 : memref<1x!tpu.dma_semaphore, #tpu.memory_space<semaphore_mem>> -> memref<!tpu.dma_semaphore, #tpu.memory_space<semaphore_mem>>
          %dma_wait3A_722 = arith.constant 0 : i32
          %dma_wait3A_723 = tpu.memref_slice %arg4[%mul3A_713, %dma_wait3A_722] : memref<49152x256xf32, #tpu.memory_space<hbm>> -> memref<128x256xf32, #tpu.memory_space<hbm>>
          %dma_wait3A_724 = arith.constant 0 : i32
          %dma_wait3A_725 = arith.constant 0 : i32
          %dma_wait3A_726 = tpu.memref_slice %run_scoped3A_8[%rem3A_711, %dma_wait3A_724, %dma_wait3A_725] : memref<2x128x256xf32, #tpu.memory_space<vmem>> -> memref<1x128x256xf32, #tpu.memory_space<vmem>>
          %dma_wait3A_727 = tpu.memref_squeeze %dma_wait3A_726 : memref<1x128x256xf32, #tpu.memory_space<vmem>> -> memref<128x256xf32, #tpu.memory_space<vmem>>
          tpu.wait_dma2 semaphore(%dma_wait3A_721 : memref<!tpu.dma_semaphore, #tpu.memory_space<semaphore_mem>>) src(%dma_wait3A_727 : memref<128x256xf32, #tpu.memory_space<vmem>>) dst(%dma_wait3A_723 : memref<128x256xf32, #tpu.memory_space<hbm>>)
          "tpu.trace_stop"() : () -> ()
        } else {
        }
        %and3A_608 = arith.constant true
        %and3A_609 = arith.andi %and3A_604, %and3A_608 : i1
        %add3A_610 = arith.constant 1 : i32
        %add3A_611 = arith.addi %scan3A_159, %add3A_610 : i32
        %select_n3A_612 = arith.select %and3A_609, %add3A_611, %scan3A_159 : i32
        %jit3A_613 = arith.constant 128 : i32
        %div3A_614 = arith.divsi %add3A_165, %jit3A_613 : i32
        %sign3A_615 = arith.constant 0 : i32
        %sign3A_616 = arith.cmpi sgt, %add3A_165, %sign3A_615 : i32
        %sign3A_617 = arith.extui %sign3A_616 : i1 to i32
        %sign3A_618 = arith.constant 0 : i32
        %sign3A_619 = arith.cmpi slt, %add3A_165, %sign3A_618 : i32
        %sign3A_620 = arith.extui %sign3A_619 : i1 to i32
        %sign3A_621 = arith.subi %sign3A_617, %sign3A_620 : i32
        %sign3A_622 = arith.constant 0 : i32
        %sign3A_623 = arith.cmpi sgt, %jit3A_613, %sign3A_622 : i32
        %sign3A_624 = arith.extui %sign3A_623 : i1 to i32
        %sign3A_625 = arith.constant 0 : i32
        %sign3A_626 = arith.cmpi slt, %jit3A_613, %sign3A_625 : i32
        %sign3A_627 = arith.extui %sign3A_626 : i1 to i32
        %sign3A_628 = arith.subi %sign3A_624, %sign3A_627 : i32
        %ne3A_629 = arith.cmpi ne, %sign3A_621, %sign3A_628 : i32
        %rem3A_630 = arith.remsi %add3A_165, %jit3A_613 : i32
        %ne3A_631 = arith.constant 0 : i32
        %ne3A_632 = arith.cmpi ne, %rem3A_630, %ne3A_631 : i32
        %and3A_633 = arith.andi %ne3A_629, %ne3A_632 : i1
        %sub3A_634 = arith.constant 1 : i32
        %sub3A_635 = arith.subi %div3A_614, %sub3A_634 : i32
        %select_n3A_636 = arith.select %and3A_633, %sub3A_635, %div3A_614 : i32
        %jit3A_637 = arith.constant 128 : i32
        %eq3A_638 = arith.constant 0 : i32
        %eq3A_639 = arith.cmpi eq, %jit3A_637, %eq3A_638 : i32
        %jit3A_640 = arith.constant 1 : i32
        %select_n3A_641 = arith.select %eq3A_639, %jit3A_640, %jit3A_637 : i32
        %rem3A_642 = arith.remsi %add3A_165, %select_n3A_641 : i32
        %ne3A_643 = arith.constant 0 : i32
        %ne3A_644 = arith.cmpi ne, %rem3A_642, %ne3A_643 : i32
        %lt3A_645 = arith.constant 0 : i32
        %lt3A_646 = arith.cmpi slt, %rem3A_642, %lt3A_645 : i32
        %lt3A_647 = arith.constant 0 : i32
        %lt3A_648 = arith.cmpi slt, %select_n3A_641, %lt3A_647 : i32
        %ne3A_649 = arith.xori %lt3A_646, %lt3A_648 : i1
        %and3A_650 = arith.andi %ne3A_649, %ne3A_644 : i1
        %add3A_651 = arith.addi %rem3A_642, %select_n3A_641 : i32
        %select_n3A_652 = arith.select %and3A_650, %add3A_651, %rem3A_642 : i32
        %jit3A_653 = arith.constant 128 : i32
        %div3A_654 = arith.divsi %add3A_183, %jit3A_653 : i32
        %sign3A_655 = arith.constant 0 : i32
        %sign3A_656 = arith.cmpi sgt, %add3A_183, %sign3A_655 : i32
        %sign3A_657 = arith.extui %sign3A_656 : i1 to i32
        %sign3A_658 = arith.constant 0 : i32
        %sign3A_659 = arith.cmpi slt, %add3A_183, %sign3A_658 : i32
        %sign3A_660 = arith.extui %sign3A_659 : i1 to i32
        %sign3A_661 = arith.subi %sign3A_657, %sign3A_660 : i32
        %sign3A_662 = arith.constant 0 : i32
        %sign3A_663 = arith.cmpi sgt, %jit3A_653, %sign3A_662 : i32
        %sign3A_664 = arith.extui %sign3A_663 : i1 to i32
        %sign3A_665 = arith.constant 0 : i32
        %sign3A_666 = arith.cmpi slt, %jit3A_653, %sign3A_665 : i32
        %sign3A_667 = arith.extui %sign3A_666 : i1 to i32
        %sign3A_668 = arith.subi %sign3A_664, %sign3A_667 : i32
        %ne3A_669 = arith.cmpi ne, %sign3A_661, %sign3A_668 : i32
        %rem3A_670 = arith.remsi %add3A_183, %jit3A_653 : i32
        %ne3A_671 = arith.constant 0 : i32
        %ne3A_672 = arith.cmpi ne, %rem3A_670, %ne3A_671 : i32
        %and3A_673 = arith.andi %ne3A_669, %ne3A_672 : i1
        %sub3A_674 = arith.constant 1 : i32
        %sub3A_675 = arith.subi %div3A_654, %sub3A_674 : i32
        %select_n3A_676 = arith.select %and3A_673, %sub3A_675, %div3A_654 : i32
        %jit3A_677 = arith.constant 128 : i32
        %eq3A_678 = arith.constant 0 : i32
        %eq3A_679 = arith.cmpi eq, %jit3A_677, %eq3A_678 : i32
        %jit3A_680 = arith.constant 1 : i32
        %select_n3A_681 = arith.select %eq3A_679, %jit3A_680, %jit3A_677 : i32
        %rem3A_682 = arith.remsi %add3A_183, %select_n3A_681 : i32
        %ne3A_683 = arith.constant 0 : i32
        %ne3A_684 = arith.cmpi ne, %rem3A_682, %ne3A_683 : i32
        %lt3A_685 = arith.constant 0 : i32
        %lt3A_686 = arith.cmpi slt, %rem3A_682, %lt3A_685 : i32
        %lt3A_687 = arith.constant 0 : i32
        %lt3A_688 = arith.cmpi slt, %select_n3A_681, %lt3A_687 : i32
        %ne3A_689 = arith.xori %lt3A_686, %lt3A_688 : i1
        %and3A_690 = arith.andi %ne3A_689, %ne3A_684 : i1
        %add3A_691 = arith.addi %rem3A_682, %select_n3A_681 : i32
        %select_n3A_692 = arith.select %and3A_690, %add3A_691, %rem3A_682 : i32
        %ne3A_693 = arith.cmpi ne, %select_n3A_636, %select_n3A_676 : i32
        %ne3A_694 = arith.cmpi ne, %select_n3A_652, %select_n3A_692 : i32
        %or3A_695 = arith.constant false
        %or3A_696 = arith.ori %or3A_695, %ne3A_693 : i1
        %or3A_697 = arith.ori %or3A_696, %ne3A_694 : i1
        %or3A_698 = arith.ori %or3A_697, %eq3A_164 : i1
        %add3A_699 = arith.constant 1 : i32
        %add3A_700 = arith.addi %scan3A_157, %add3A_699 : i32
        %select_n3A_701 = arith.select %or3A_698, %add3A_700, %scan3A_157 : i32
        %add3A_702 = arith.constant 1 : i32
        %add3A_703 = arith.addi %scan3A_160, %add3A_702 : i32
        %select_n3A_704 = arith.constant true
        %select_n3A_705 = arith.select %select_n3A_704, %add3A_703, %scan3A_160 : i32
        %eq3A_706 = arith.constant 12 : i32
        %eq3A_707 = arith.cmpi eq, %select_n3A_705, %eq3A_706 : i32
        %select_n3A_708 = arith.constant 0 : i32
        %select_n3A_709 = arith.select %eq3A_707, %select_n3A_708, %select_n3A_705 : i32
        scf.yield %select_n3A_285, %select_n3A_701, %select_n3A_503, %select_n3A_612, %select_n3A_709 : i32, i32, i32, i32, i32
      }
      %scan3A_101 = arith.constant 12 : i32
      %sub3A_102 = arith.constant 1 : i32
      %sub3A_103 = arith.subi %scan3A_100#4, %sub3A_102 : i32
      %select_n3A_104 = arith.constant true
      %select_n3A_105 = arith.select %select_n3A_104, %sub3A_103, %scan3A_100#4 : i32
      %eq3A_106 = arith.constant -1 : i32
      %eq3A_107 = arith.cmpi eq, %select_n3A_105, %eq3A_106 : i32
      %select_n3A_108 = arith.constant 11 : i32
      %select_n3A_109 = arith.select %eq3A_107, %select_n3A_108, %select_n3A_105 : i32
      %add3A_110 = arith.addi %select_n3A_109, %mul3A_6 : i32
      %sub3A_111 = arith.constant 1 : i32
      %sub3A_112 = arith.subi %select_n3A_109, %sub3A_111 : i32
      %select_n3A_113 = arith.constant true
      %select_n3A_114 = arith.select %select_n3A_113, %sub3A_112, %select_n3A_109 : i32
      %eq3A_115 = arith.constant -1 : i32
      %eq3A_116 = arith.cmpi eq, %select_n3A_114, %eq3A_115 : i32
      %select_n3A_117 = arith.constant 11 : i32
      %select_n3A_118 = arith.select %eq3A_116, %select_n3A_117, %select_n3A_114 : i32
      %add3A_119 = arith.addi %select_n3A_118, %mul3A_6 : i32
      %add3A_120 = arith.constant 1 : i32
      %add3A_121 = arith.addi %select_n3A_109, %add3A_120 : i32
      %select_n3A_122 = arith.constant true
      %select_n3A_123 = arith.select %select_n3A_122, %add3A_121, %select_n3A_109 : i32
      %eq3A_124 = arith.constant 12 : i32
      %eq3A_125 = arith.cmpi eq, %select_n3A_123, %eq3A_124 : i32
      %select_n3A_126 = arith.constant 0 : i32
      %select_n3A_127 = arith.select %eq3A_125, %select_n3A_126, %select_n3A_123 : i32
      %add3A_128 = arith.addi %select_n3A_127, %mul3A_6 : i32
      %add3A_129 = arith.constant 1 : i32
      %add3A_130 = arith.addi %select_n3A_127, %add3A_129 : i32
      %select_n3A_131 = arith.constant true
      %select_n3A_132 = arith.select %select_n3A_131, %add3A_130, %select_n3A_127 : i32
      %eq3A_133 = arith.constant 12 : i32
      %eq3A_134 = arith.cmpi eq, %select_n3A_132, %eq3A_133 : i32
      %select_n3A_135 = arith.constant 0 : i32
      %select_n3A_136 = arith.select %eq3A_134, %select_n3A_135, %select_n3A_132 : i32
      %add3A_137 = arith.addi %select_n3A_136, %mul3A_6 : i32
      "tpu.trace_start"() <{level = 10 : i32, message = "ep_finalize"}> : () -> ()
      %rem3A_138 = arith.constant 2 : i32
      %rem3A_139 = arith.remui %scan3A_100#3, %rem3A_138 : i32
      %mul3A_140 = arith.constant 128 : i32
      %mul3A_141 = arith.muli %mul3A_140, %add3A_110 : i32
      %dma_wait3A = arith.constant 0 : i32
      %dma_wait3A_142 = arith.constant 0 : i32
      %dma_wait3A_143 = tpu.memref_slice %run_scoped3A_8[%rem3A_139, %dma_wait3A, %dma_wait3A_142] : memref<2x128x256xf32, #tpu.memory_space<vmem>> -> memref<1x128x256xf32, #tpu.memory_space<vmem>>
      %dma_wait3A_144 = tpu.memref_squeeze %dma_wait3A_143 : memref<1x128x256xf32, #tpu.memory_space<vmem>> -> memref<128x256xf32, #tpu.memory_space<vmem>>
      %dma_wait3A_145 = arith.constant 0 : i32
      %dma_wait3A_146 = tpu.memref_slice %arg4[%mul3A_141, %dma_wait3A_145] : memref<49152x256xf32, #tpu.memory_space<hbm>> -> memref<128x256xf32, #tpu.memory_space<hbm>>
      %dma_wait3A_147 = tpu.memref_slice %run_scoped3A_9[%rem3A_139] : memref<2x!tpu.dma_semaphore, #tpu.memory_space<semaphore_mem>> -> memref<1x!tpu.dma_semaphore, #tpu.memory_space<semaphore_mem>>
      %dma_wait3A_148 = tpu.memref_squeeze %dma_wait3A_147 : memref<1x!tpu.dma_semaphore, #tpu.memory_space<semaphore_mem>> -> memref<!tpu.dma_semaphore, #tpu.memory_space<semaphore_mem>>
      %dma_wait3A_149 = arith.constant 0 : i32
      %dma_wait3A_150 = tpu.memref_slice %arg4[%mul3A_141, %dma_wait3A_149] : memref<49152x256xf32, #tpu.memory_space<hbm>> -> memref<128x256xf32, #tpu.memory_space<hbm>>
      %dma_wait3A_151 = arith.constant 0 : i32
      %dma_wait3A_152 = arith.constant 0 : i32
      %dma_wait3A_153 = tpu.memref_slice %run_scoped3A_8[%rem3A_139, %dma_wait3A_151, %dma_wait3A_152] : memref<2x128x256xf32, #tpu.memory_space<vmem>> -> memref<1x128x256xf32, #tpu.memory_space<vmem>>
      %dma_wait3A_154 = tpu.memref_squeeze %dma_wait3A_153 : memref<1x128x256xf32, #tpu.memory_space<vmem>> -> memref<128x256xf32, #tpu.memory_space<vmem>>
      tpu.wait_dma2 semaphore(%dma_wait3A_148 : memref<!tpu.dma_semaphore, #tpu.memory_space<semaphore_mem>>) src(%dma_wait3A_154 : memref<128x256xf32, #tpu.memory_space<vmem>>) dst(%dma_wait3A_150 : memref<128x256xf32, #tpu.memory_space<hbm>>)
      "tpu.trace_stop"() : () -> ()
      tpu.yield
    }) : () -> ()
    return
  }
}

module attributes {stable_mosaic.version = 14 : i64} {
  func.func @_knn_body(%arg0: i32, %arg1: memref<3x512xf32, #tpu.memory_space<vmem>>, %arg2: memref<1x512xi32, #tpu.memory_space<vmem>>, %arg3: memref<4096x3xf32, #tpu.memory_space<vmem>>, %arg4: memref<4096x1xi32, #tpu.memory_space<vmem>>, %arg5: memref<1x4096xi32, #tpu.memory_space<vmem>>, %arg6: memref<3x512xi32, #tpu.memory_space<vmem>>, %arg7: memref<3x512xf32, #tpu.memory_space<vmem>>) attributes {dimension_semantics = [#tpu.dimension_semantics<arbitrary>], iteration_bounds = array<i64: 32>, scalar_prefetch = 0 : i64, scratch_operands = 0 : i64, tpu.core_type = #tpu.core_type<tc>, window_params = [{transform_indices = @transform_0, window_bounds = array<i64: 3, 512>}, {transform_indices = @transform_1, window_bounds = array<i64: 1, 512>}, {pipeline_mode = #tpu.pipeline_mode<synchronous>, transform_indices = @transform_2, window_bounds = array<i64: 4096, 3>}, {pipeline_mode = #tpu.pipeline_mode<synchronous>, transform_indices = @transform_3, window_bounds = array<i64: 4096, 1>}, {pipeline_mode = #tpu.pipeline_mode<synchronous>, transform_indices = @transform_4, window_bounds = array<i64: 1, 4096>}, {transform_indices = @transform_5, window_bounds = array<i64: 3, 512>}, {transform_indices = @transform_6, window_bounds = array<i64: 3, 512>}]} {
    %get3A = arith.constant 0 : index
    %get3A_0 = arith.constant 0 : index
    %get3A_1 = vector.load %arg2[%get3A, %get3A_0] : memref<1x512xi32, #tpu.memory_space<vmem>>, vector<1x1xi32>
    %get3A_2 = vector.extract %get3A_1[0, 0] : i32 from vector<1x1xi32>
    %get3A_3 = arith.constant 0 : index
    %get3A_4 = arith.constant 511 : index
    %get3A_5 = vector.load %arg2[%get3A_3, %get3A_4] : memref<1x512xi32, #tpu.memory_space<vmem>>, vector<1x1xi32>
    %get3A_6 = vector.extract %get3A_5[0, 0] : i32 from vector<1x1xi32>
    %get3A_7 = arith.constant 0 : index
    %get3A_8 = arith.constant 0 : index
    %get3A_9 = vector.load %arg5[%get3A_7, %get3A_8] : memref<1x4096xi32, #tpu.memory_space<vmem>>, vector<1x4096xi32>
    %lt3A = vector.broadcast %get3A_2 : i32 to vector<1x4096xi32>
    %lt3A_10 = arith.cmpi slt, %get3A_9, %lt3A : vector<1x4096xi32>
    %convert_element_type3A = arith.extui %lt3A_10 : vector<1x4096xi1> to vector<1x4096xi32>
    %reduce_sum3A = vector.shape_cast %convert_element_type3A : vector<1x4096xi32> to vector<1x1x4096xi32>
    %reduce_sum3A_11 = arith.constant dense<0> : vector<1xi32>
    %reduce_sum3A_12 = vector.multi_reduction <add>, %reduce_sum3A, %reduce_sum3A_11 [1, 2] : vector<1x1x4096xi32> to vector<1xi32>
    %reduce_sum3A_13 = vector.shape_cast %reduce_sum3A_12 : vector<1xi32> to vector<1x1x1xi32>
    %reduce_sum3A_14 = vector.extract %reduce_sum3A_13[0, 0, 0] : i32 from vector<1x1x1xi32>
    %le3A = vector.broadcast %get3A_6 : i32 to vector<1x4096xi32>
    %le3A_15 = arith.cmpi sle, %get3A_9, %le3A : vector<1x4096xi32>
    %convert_element_type3A_16 = arith.extui %le3A_15 : vector<1x4096xi1> to vector<1x4096xi32>
    %reduce_sum3A_17 = vector.shape_cast %convert_element_type3A_16 : vector<1x4096xi32> to vector<1x1x4096xi32>
    %reduce_sum3A_18 = arith.constant dense<0> : vector<1xi32>
    %reduce_sum3A_19 = vector.multi_reduction <add>, %reduce_sum3A_17, %reduce_sum3A_18 [1, 2] : vector<1x1x4096xi32> to vector<1xi32>
    %reduce_sum3A_20 = vector.shape_cast %reduce_sum3A_19 : vector<1xi32> to vector<1x1x1xi32>
    %reduce_sum3A_21 = vector.extract %reduce_sum3A_20[0, 0, 0] : i32 from vector<1x1x1xi32>
    %get3A_22 = arith.constant 0 : index
    %get3A_23 = arith.constant 0 : index
    %get3A_24 = vector.load %arg1[%get3A_22, %get3A_23] : memref<3x512xf32, #tpu.memory_space<vmem>>, vector<1x512xf32>
    %get3A_25 = arith.constant 1 : index
    %get3A_26 = arith.constant 0 : index
    %get3A_27 = vector.load %arg1[%get3A_25, %get3A_26] : memref<3x512xf32, #tpu.memory_space<vmem>>, vector<1x512xf32>
    %get3A_28 = arith.constant 2 : index
    %get3A_29 = arith.constant 0 : index
    %get3A_30 = vector.load %arg1[%get3A_28, %get3A_29] : memref<3x512xf32, #tpu.memory_space<vmem>>, vector<1x512xf32>
    %get3A_31 = arith.constant 0 : index
    %get3A_32 = arith.constant 0 : index
    %get3A_33 = vector.load %arg2[%get3A_31, %get3A_32] : memref<1x512xi32, #tpu.memory_space<vmem>>, vector<1x512xi32>
    %iota3A = tpu.iota {dimensions = array<i32: 0>} : vector<576x512xi32>
    %convert_element_type3A_34 = arith.sitofp %iota3A : vector<576x512xi32> to vector<576x512xf32>
    %iota3A_35 = tpu.iota {dimensions = array<i32: 0>} : vector<576x1xi32>
    %jit3A = arith.constant 8 : i32
    %div3A = arith.divsi %reduce_sum3A_14, %jit3A : i32
    %sign3A = arith.constant 0 : i32
    %sign3A_36 = arith.cmpi sgt, %reduce_sum3A_14, %sign3A : i32
    %sign3A_37 = arith.extui %sign3A_36 : i1 to i32
    %sign3A_38 = arith.constant 0 : i32
    %sign3A_39 = arith.cmpi slt, %reduce_sum3A_14, %sign3A_38 : i32
    %sign3A_40 = arith.extui %sign3A_39 : i1 to i32
    %sign3A_41 = arith.subi %sign3A_37, %sign3A_40 : i32
    %sign3A_42 = arith.constant 0 : i32
    %sign3A_43 = arith.cmpi sgt, %jit3A, %sign3A_42 : i32
    %sign3A_44 = arith.extui %sign3A_43 : i1 to i32
    %sign3A_45 = arith.constant 0 : i32
    %sign3A_46 = arith.cmpi slt, %jit3A, %sign3A_45 : i32
    %sign3A_47 = arith.extui %sign3A_46 : i1 to i32
    %sign3A_48 = arith.subi %sign3A_44, %sign3A_47 : i32
    %ne3A = arith.cmpi ne, %sign3A_41, %sign3A_48 : i32
    %rem3A = arith.remsi %reduce_sum3A_14, %jit3A : i32
    %ne3A_49 = arith.constant 0 : i32
    %ne3A_50 = arith.cmpi ne, %rem3A, %ne3A_49 : i32
    %and3A = arith.andi %ne3A, %ne3A_50 : i1
    %sub3A = arith.constant 1 : i32
    %sub3A_51 = arith.subi %div3A, %sub3A : i32
    %select_n3A = arith.select %and3A, %sub3A_51, %div3A : i32
    %mul3A = arith.constant 8 : i32
    %mul3A_52 = arith.muli %select_n3A, %mul3A : i32
    %broadcast_in_dim3A = arith.constant 1.000000e+00 : f32
    %broadcast_in_dim3A_53 = vector.broadcast %broadcast_in_dim3A : f32 to vector<1x512xf32>
    %mul3A_54 = arith.constant 1.000000e+10 : f32
    %mul3A_55 = vector.broadcast %mul3A_54 : f32 to vector<1x512xf32>
    %mul3A_56 = arith.mulf %mul3A_55, %broadcast_in_dim3A_53 : vector<1x512xf32>
    %mul3A_57 = arith.constant 1.000000e+10 : f32
    %mul3A_58 = vector.broadcast %mul3A_57 : f32 to vector<1x512xf32>
    %mul3A_59 = arith.mulf %mul3A_58, %broadcast_in_dim3A_53 : vector<1x512xf32>
    %mul3A_60 = arith.constant 1.000000e+10 : f32
    %mul3A_61 = vector.broadcast %mul3A_60 : f32 to vector<1x512xf32>
    %mul3A_62 = arith.mulf %mul3A_61, %broadcast_in_dim3A_53 : vector<1x512xf32>
    %mul3A_63 = arith.constant 0.000000e+00 : f32
    %mul3A_64 = vector.broadcast %mul3A_63 : f32 to vector<1x512xf32>
    %mul3A_65 = arith.mulf %mul3A_64, %broadcast_in_dim3A_53 : vector<1x512xf32>
    %mul3A_66 = arith.constant 1.000000e+00 : f32
    %mul3A_67 = vector.broadcast %mul3A_66 : f32 to vector<1x512xf32>
    %mul3A_68 = arith.mulf %mul3A_67, %broadcast_in_dim3A_53 : vector<1x512xf32>
    %mul3A_69 = arith.constant 2.000000e+00 : f32
    %mul3A_70 = vector.broadcast %mul3A_69 : f32 to vector<1x512xf32>
    %mul3A_71 = arith.mulf %mul3A_70, %broadcast_in_dim3A_53 : vector<1x512xf32>
    %sub3A_72 = arith.subi %reduce_sum3A_21, %mul3A_52 : i32
    %add3A = arith.constant 576 : i32
    %add3A_73 = arith.addi %sub3A_72, %add3A : i32
    %sub3A_74 = arith.constant 1 : i32
    %sub3A_75 = arith.subi %add3A_73, %sub3A_74 : i32
    %jit3A_76 = arith.constant 576 : i32
    %div3A_77 = arith.divsi %sub3A_75, %jit3A_76 : i32
    %sign3A_78 = arith.constant 0 : i32
    %sign3A_79 = arith.cmpi sgt, %sub3A_75, %sign3A_78 : i32
    %sign3A_80 = arith.extui %sign3A_79 : i1 to i32
    %sign3A_81 = arith.constant 0 : i32
    %sign3A_82 = arith.cmpi slt, %sub3A_75, %sign3A_81 : i32
    %sign3A_83 = arith.extui %sign3A_82 : i1 to i32
    %sign3A_84 = arith.subi %sign3A_80, %sign3A_83 : i32
    %sign3A_85 = arith.constant 0 : i32
    %sign3A_86 = arith.cmpi sgt, %jit3A_76, %sign3A_85 : i32
    %sign3A_87 = arith.extui %sign3A_86 : i1 to i32
    %sign3A_88 = arith.constant 0 : i32
    %sign3A_89 = arith.cmpi slt, %jit3A_76, %sign3A_88 : i32
    %sign3A_90 = arith.extui %sign3A_89 : i1 to i32
    %sign3A_91 = arith.subi %sign3A_87, %sign3A_90 : i32
    %ne3A_92 = arith.cmpi ne, %sign3A_84, %sign3A_91 : i32
    %rem3A_93 = arith.remsi %sub3A_75, %jit3A_76 : i32
    %ne3A_94 = arith.constant 0 : i32
    %ne3A_95 = arith.cmpi ne, %rem3A_93, %ne3A_94 : i32
    %and3A_96 = arith.andi %ne3A_92, %ne3A_95 : i1
    %sub3A_97 = arith.constant 1 : i32
    %sub3A_98 = arith.subi %div3A_77, %sub3A_97 : i32
    %select_n3A_99 = arith.select %and3A_96, %sub3A_98, %div3A_77 : i32
    %while3A = arith.constant 1.000000e+10 : f32
    %while3A_100 = arith.constant 0 : i32
    %while3A_101 = arith.subi %select_n3A_99, %while3A_100 : i32
    %while3A_102 = arith.addi %while3A_100, %while3A_101 : i32
    %while3A_103 = arith.constant 1 : i32
    %while3A_104 = arith.divsi %while3A_101, %while3A_103 : i32
    %while3A_105 = arith.muli %while3A_104, %while3A_103 : i32
    %while3A_106 = arith.addi %while3A_100, %while3A_105 : i32
    %while3A_107 = arith.constant 1 : i32
    %while3A_108:6 = scf.for %while3A_140 = %while3A_100 to %while3A_106 step %while3A_107 iter_args(%while3A_141 = %mul3A_56, %while3A_142 = %mul3A_59, %while3A_143 = %mul3A_62, %while3A_144 = %mul3A_65, %while3A_145 = %mul3A_68, %while3A_146 = %mul3A_71) -> (vector<1x512xf32>, vector<1x512xf32>, vector<1x512xf32>, vector<1x512xf32>, vector<1x512xf32>, vector<1x512xf32>)  : i32 {
      %mul3A_147 = arith.constant 576 : i32
      %mul3A_148 = arith.muli %while3A_140, %mul3A_147 : i32
      %add3A_149 = arith.addi %mul3A_52, %mul3A_148 : i32
      %min3A = arith.constant 3520 : i32
      %min3A_150 = arith.minsi %add3A_149, %min3A : i32
      %get3A_151 = arith.index_cast %min3A_150 : i32 to index
      %get3A_152 = arith.constant 0 : index
      %get3A_153 = vector.load %arg3[%get3A_151, %get3A_152] : memref<4096x3xf32, #tpu.memory_space<vmem>>, vector<576x1xf32>
      %get3A_154 = arith.index_cast %min3A_150 : i32 to index
      %get3A_155 = arith.constant 1 : index
      %get3A_156 = vector.load %arg3[%get3A_154, %get3A_155] : memref<4096x3xf32, #tpu.memory_space<vmem>>, vector<576x1xf32>
      %get3A_157 = arith.index_cast %min3A_150 : i32 to index
      %get3A_158 = arith.constant 2 : index
      %get3A_159 = vector.load %arg3[%get3A_157, %get3A_158] : memref<4096x3xf32, #tpu.memory_space<vmem>>, vector<576x1xf32>
      %get3A_160 = arith.index_cast %min3A_150 : i32 to index
      %get3A_161 = arith.constant 0 : index
      %get3A_162 = vector.load %arg4[%get3A_160, %get3A_161] : memref<4096x1xi32, #tpu.memory_space<vmem>>, vector<576x1xi32>
      %sub3A_163 = arith.subi %add3A_149, %min3A_150 : i32
      %lt3A_164 = vector.broadcast %sub3A_163 : i32 to vector<576x1xi32>
      %lt3A_165 = arith.cmpi slt, %iota3A_35, %lt3A_164 : vector<576x1xi32>
      %jit3A_166 = arith.constant -1 : i32
      %broadcast_in_dim3A_167 = vector.broadcast %jit3A_166 : i32 to vector<576x1xi32>
      %select_n3A_168 = arith.select %lt3A_165, %broadcast_in_dim3A_167, %get3A_162 : vector<576x1xi1>, vector<576x1xi32>
      %sub3A_169 = vector.broadcast %get3A_153 : vector<576x1xf32> to vector<576x512xf32>
      %sub3A_170 = vector.broadcast %get3A_24 : vector<1x512xf32> to vector<576x512xf32>
      %sub3A_171 = arith.subf %sub3A_169, %sub3A_170 : vector<576x512xf32>
      %sub3A_172 = vector.broadcast %get3A_156 : vector<576x1xf32> to vector<576x512xf32>
      %sub3A_173 = vector.broadcast %get3A_27 : vector<1x512xf32> to vector<576x512xf32>
      %sub3A_174 = arith.subf %sub3A_172, %sub3A_173 : vector<576x512xf32>
      %sub3A_175 = vector.broadcast %get3A_159 : vector<576x1xf32> to vector<576x512xf32>
      %sub3A_176 = vector.broadcast %get3A_30 : vector<1x512xf32> to vector<576x512xf32>
      %sub3A_177 = arith.subf %sub3A_175, %sub3A_176 : vector<576x512xf32>
      %mul3A_178 = arith.mulf %sub3A_171, %sub3A_171 : vector<576x512xf32>
      %mul3A_179 = arith.mulf %sub3A_174, %sub3A_174 : vector<576x512xf32>
      %add3A_180 = arith.addf %mul3A_178, %mul3A_179 : vector<576x512xf32>
      %mul3A_181 = arith.mulf %sub3A_177, %sub3A_177 : vector<576x512xf32>
      %add3A_182 = arith.addf %add3A_180, %mul3A_181 : vector<576x512xf32>
      %ne3A_183 = vector.broadcast %select_n3A_168 : vector<576x1xi32> to vector<576x512xi32>
      %ne3A_184 = vector.broadcast %get3A_33 : vector<1x512xi32> to vector<576x512xi32>
      %ne3A_185 = arith.cmpi ne, %ne3A_183, %ne3A_184 : vector<576x512xi32>
      %broadcast_in_dim3A_186 = vector.broadcast %while3A : f32 to vector<576x512xf32>
      %select_n3A_187 = arith.select %ne3A_185, %broadcast_in_dim3A_186, %add3A_182 : vector<576x512xi1>, vector<576x512xf32>
      %convert_element_type3A_188 = arith.sitofp %min3A_150 : i32 to f32
      %reduce_min3A = arith.constant dense<0x7F800000> : vector<512xf32>
      %reduce_min3A_189 = vector.multi_reduction <minimumf>, %select_n3A_187, %reduce_min3A [0] : vector<576x512xf32> to vector<512xf32>
      %broadcast_in_dim3A_190 = vector.shape_cast %reduce_min3A_189 : vector<512xf32> to vector<1x512xf32>
      %eq3A = vector.broadcast %broadcast_in_dim3A_190 : vector<1x512xf32> to vector<576x512xf32>
      %eq3A_191 = arith.cmpf oeq, %select_n3A_187, %eq3A : vector<576x512xf32>
      %jit3A_192 = arith.constant 5.760000e+02 : f32
      %broadcast_in_dim3A_193 = vector.broadcast %jit3A_192 : f32 to vector<576x512xf32>
      %select_n3A_194 = arith.select %eq3A_191, %convert_element_type3A_34, %broadcast_in_dim3A_193 : vector<576x512xi1>, vector<576x512xf32>
      %reduce_min3A_195 = arith.constant dense<0x7F800000> : vector<512xf32>
      %reduce_min3A_196 = vector.multi_reduction <minimumf>, %select_n3A_194, %reduce_min3A_195 [0] : vector<576x512xf32> to vector<512xf32>
      %broadcast_in_dim3A_197 = vector.shape_cast %reduce_min3A_196 : vector<512xf32> to vector<1x512xf32>
      %jit3A_198 = arith.constant 3.400000e+38 : f32
      %broadcast_in_dim3A_199 = vector.broadcast %jit3A_198 : f32 to vector<576x512xf32>
      %select_n3A_200 = arith.select %eq3A_191, %broadcast_in_dim3A_199, %select_n3A_187 : vector<576x512xi1>, vector<576x512xf32>
      %add3A_201 = vector.broadcast %convert_element_type3A_188 : f32 to vector<1x512xf32>
      %add3A_202 = arith.addf %broadcast_in_dim3A_197, %add3A_201 : vector<1x512xf32>
      %lt3A_203 = arith.cmpf olt, %broadcast_in_dim3A_190, %while3A_143 : vector<1x512xf32>
      %select_n3A_204 = arith.select %lt3A_203, %broadcast_in_dim3A_190, %while3A_143 : vector<1x512xi1>, vector<1x512xf32>
      %select_n3A_205 = arith.select %lt3A_203, %add3A_202, %while3A_146 : vector<1x512xi1>, vector<1x512xf32>
      %lt3A_206 = arith.cmpf olt, %select_n3A_204, %while3A_142 : vector<1x512xf32>
      %select_n3A_207 = arith.select %lt3A_206, %select_n3A_204, %while3A_142 : vector<1x512xi1>, vector<1x512xf32>
      %select_n3A_208 = arith.select %lt3A_206, %select_n3A_205, %while3A_145 : vector<1x512xi1>, vector<1x512xf32>
      %select_n3A_209 = arith.select %lt3A_206, %while3A_142, %select_n3A_204 : vector<1x512xi1>, vector<1x512xf32>
      %select_n3A_210 = arith.select %lt3A_206, %while3A_145, %select_n3A_205 : vector<1x512xi1>, vector<1x512xf32>
      %lt3A_211 = arith.cmpf olt, %select_n3A_207, %while3A_141 : vector<1x512xf32>
      %select_n3A_212 = arith.select %lt3A_211, %select_n3A_207, %while3A_141 : vector<1x512xi1>, vector<1x512xf32>
      %select_n3A_213 = arith.select %lt3A_211, %select_n3A_208, %while3A_144 : vector<1x512xi1>, vector<1x512xf32>
      %select_n3A_214 = arith.select %lt3A_211, %while3A_141, %select_n3A_207 : vector<1x512xi1>, vector<1x512xf32>
      %select_n3A_215 = arith.select %lt3A_211, %while3A_144, %select_n3A_208 : vector<1x512xi1>, vector<1x512xf32>
      %reduce_min3A_216 = arith.constant dense<0x7F800000> : vector<512xf32>
      %reduce_min3A_217 = vector.multi_reduction <minimumf>, %select_n3A_200, %reduce_min3A_216 [0] : vector<576x512xf32> to vector<512xf32>
      %broadcast_in_dim3A_218 = vector.shape_cast %reduce_min3A_217 : vector<512xf32> to vector<1x512xf32>
      %eq3A_219 = vector.broadcast %broadcast_in_dim3A_218 : vector<1x512xf32> to vector<576x512xf32>
      %eq3A_220 = arith.cmpf oeq, %select_n3A_200, %eq3A_219 : vector<576x512xf32>
      %jit3A_221 = arith.constant 5.760000e+02 : f32
      %broadcast_in_dim3A_222 = vector.broadcast %jit3A_221 : f32 to vector<576x512xf32>
      %select_n3A_223 = arith.select %eq3A_220, %convert_element_type3A_34, %broadcast_in_dim3A_222 : vector<576x512xi1>, vector<576x512xf32>
      %reduce_min3A_224 = arith.constant dense<0x7F800000> : vector<512xf32>
      %reduce_min3A_225 = vector.multi_reduction <minimumf>, %select_n3A_223, %reduce_min3A_224 [0] : vector<576x512xf32> to vector<512xf32>
      %broadcast_in_dim3A_226 = vector.shape_cast %reduce_min3A_225 : vector<512xf32> to vector<1x512xf32>
      %jit3A_227 = arith.constant 3.400000e+38 : f32
      %broadcast_in_dim3A_228 = vector.broadcast %jit3A_227 : f32 to vector<576x512xf32>
      %select_n3A_229 = arith.select %eq3A_220, %broadcast_in_dim3A_228, %select_n3A_200 : vector<576x512xi1>, vector<576x512xf32>
      %add3A_230 = vector.broadcast %convert_element_type3A_188 : f32 to vector<1x512xf32>
      %add3A_231 = arith.addf %broadcast_in_dim3A_226, %add3A_230 : vector<1x512xf32>
      %lt3A_232 = arith.cmpf olt, %broadcast_in_dim3A_218, %select_n3A_209 : vector<1x512xf32>
      %select_n3A_233 = arith.select %lt3A_232, %broadcast_in_dim3A_218, %select_n3A_209 : vector<1x512xi1>, vector<1x512xf32>
      %select_n3A_234 = arith.select %lt3A_232, %add3A_231, %select_n3A_210 : vector<1x512xi1>, vector<1x512xf32>
      %lt3A_235 = arith.cmpf olt, %select_n3A_233, %select_n3A_214 : vector<1x512xf32>
      %select_n3A_236 = arith.select %lt3A_235, %select_n3A_233, %select_n3A_214 : vector<1x512xi1>, vector<1x512xf32>
      %select_n3A_237 = arith.select %lt3A_235, %select_n3A_234, %select_n3A_215 : vector<1x512xi1>, vector<1x512xf32>
      %select_n3A_238 = arith.select %lt3A_235, %select_n3A_214, %select_n3A_233 : vector<1x512xi1>, vector<1x512xf32>
      %select_n3A_239 = arith.select %lt3A_235, %select_n3A_215, %select_n3A_234 : vector<1x512xi1>, vector<1x512xf32>
      %lt3A_240 = arith.cmpf olt, %select_n3A_236, %select_n3A_212 : vector<1x512xf32>
      %select_n3A_241 = arith.select %lt3A_240, %select_n3A_236, %select_n3A_212 : vector<1x512xi1>, vector<1x512xf32>
      %select_n3A_242 = arith.select %lt3A_240, %select_n3A_237, %select_n3A_213 : vector<1x512xi1>, vector<1x512xf32>
      %select_n3A_243 = arith.select %lt3A_240, %select_n3A_212, %select_n3A_236 : vector<1x512xi1>, vector<1x512xf32>
      %select_n3A_244 = arith.select %lt3A_240, %select_n3A_213, %select_n3A_237 : vector<1x512xi1>, vector<1x512xf32>
      %reduce_min3A_245 = arith.constant dense<0x7F800000> : vector<512xf32>
      %reduce_min3A_246 = vector.multi_reduction <minimumf>, %select_n3A_229, %reduce_min3A_245 [0] : vector<576x512xf32> to vector<512xf32>
      %broadcast_in_dim3A_247 = vector.shape_cast %reduce_min3A_246 : vector<512xf32> to vector<1x512xf32>
      %eq3A_248 = vector.broadcast %broadcast_in_dim3A_247 : vector<1x512xf32> to vector<576x512xf32>
      %eq3A_249 = arith.cmpf oeq, %select_n3A_229, %eq3A_248 : vector<576x512xf32>
      %jit3A_250 = arith.constant 5.760000e+02 : f32
      %broadcast_in_dim3A_251 = vector.broadcast %jit3A_250 : f32 to vector<576x512xf32>
      %select_n3A_252 = arith.select %eq3A_249, %convert_element_type3A_34, %broadcast_in_dim3A_251 : vector<576x512xi1>, vector<576x512xf32>
      %reduce_min3A_253 = arith.constant dense<0x7F800000> : vector<512xf32>
      %reduce_min3A_254 = vector.multi_reduction <minimumf>, %select_n3A_252, %reduce_min3A_253 [0] : vector<576x512xf32> to vector<512xf32>
      %broadcast_in_dim3A_255 = vector.shape_cast %reduce_min3A_254 : vector<512xf32> to vector<1x512xf32>
      %add3A_256 = vector.broadcast %convert_element_type3A_188 : f32 to vector<1x512xf32>
      %add3A_257 = arith.addf %broadcast_in_dim3A_255, %add3A_256 : vector<1x512xf32>
      %lt3A_258 = arith.cmpf olt, %broadcast_in_dim3A_247, %select_n3A_238 : vector<1x512xf32>
      %select_n3A_259 = arith.select %lt3A_258, %broadcast_in_dim3A_247, %select_n3A_238 : vector<1x512xi1>, vector<1x512xf32>
      %select_n3A_260 = arith.select %lt3A_258, %add3A_257, %select_n3A_239 : vector<1x512xi1>, vector<1x512xf32>
      %lt3A_261 = arith.cmpf olt, %select_n3A_259, %select_n3A_243 : vector<1x512xf32>
      %select_n3A_262 = arith.select %lt3A_261, %select_n3A_259, %select_n3A_243 : vector<1x512xi1>, vector<1x512xf32>
      %select_n3A_263 = arith.select %lt3A_261, %select_n3A_260, %select_n3A_244 : vector<1x512xi1>, vector<1x512xf32>
      %select_n3A_264 = arith.select %lt3A_261, %select_n3A_243, %select_n3A_259 : vector<1x512xi1>, vector<1x512xf32>
      %select_n3A_265 = arith.select %lt3A_261, %select_n3A_244, %select_n3A_260 : vector<1x512xi1>, vector<1x512xf32>
      %lt3A_266 = arith.cmpf olt, %select_n3A_262, %select_n3A_241 : vector<1x512xf32>
      %select_n3A_267 = arith.select %lt3A_266, %select_n3A_262, %select_n3A_241 : vector<1x512xi1>, vector<1x512xf32>
      %select_n3A_268 = arith.select %lt3A_266, %select_n3A_263, %select_n3A_242 : vector<1x512xi1>, vector<1x512xf32>
      %select_n3A_269 = arith.select %lt3A_266, %select_n3A_241, %select_n3A_262 : vector<1x512xi1>, vector<1x512xf32>
      %select_n3A_270 = arith.select %lt3A_266, %select_n3A_242, %select_n3A_263 : vector<1x512xi1>, vector<1x512xf32>
      scf.yield %select_n3A_267, %select_n3A_269, %select_n3A_264, %select_n3A_268, %select_n3A_270, %select_n3A_265 : vector<1x512xf32>, vector<1x512xf32>, vector<1x512xf32>, vector<1x512xf32>, vector<1x512xf32>, vector<1x512xf32>
    }
    %while3A_109 = arith.constant 1 : i32
    %while3A_110:6 = scf.for %while3A_140 = %while3A_106 to %while3A_102 step %while3A_109 iter_args(%while3A_141 = %while3A_108#0, %while3A_142 = %while3A_108#1, %while3A_143 = %while3A_108#2, %while3A_144 = %while3A_108#3, %while3A_145 = %while3A_108#4, %while3A_146 = %while3A_108#5) -> (vector<1x512xf32>, vector<1x512xf32>, vector<1x512xf32>, vector<1x512xf32>, vector<1x512xf32>, vector<1x512xf32>)  : i32 {
      %mul3A_147 = arith.constant 576 : i32
      %mul3A_148 = arith.muli %while3A_140, %mul3A_147 : i32
      %add3A_149 = arith.addi %mul3A_52, %mul3A_148 : i32
      %min3A = arith.constant 3520 : i32
      %min3A_150 = arith.minsi %add3A_149, %min3A : i32
      %get3A_151 = arith.index_cast %min3A_150 : i32 to index
      %get3A_152 = arith.constant 0 : index
      %get3A_153 = vector.load %arg3[%get3A_151, %get3A_152] : memref<4096x3xf32, #tpu.memory_space<vmem>>, vector<576x1xf32>
      %get3A_154 = arith.index_cast %min3A_150 : i32 to index
      %get3A_155 = arith.constant 1 : index
      %get3A_156 = vector.load %arg3[%get3A_154, %get3A_155] : memref<4096x3xf32, #tpu.memory_space<vmem>>, vector<576x1xf32>
      %get3A_157 = arith.index_cast %min3A_150 : i32 to index
      %get3A_158 = arith.constant 2 : index
      %get3A_159 = vector.load %arg3[%get3A_157, %get3A_158] : memref<4096x3xf32, #tpu.memory_space<vmem>>, vector<576x1xf32>
      %get3A_160 = arith.index_cast %min3A_150 : i32 to index
      %get3A_161 = arith.constant 0 : index
      %get3A_162 = vector.load %arg4[%get3A_160, %get3A_161] : memref<4096x1xi32, #tpu.memory_space<vmem>>, vector<576x1xi32>
      %sub3A_163 = arith.subi %add3A_149, %min3A_150 : i32
      %lt3A_164 = vector.broadcast %sub3A_163 : i32 to vector<576x1xi32>
      %lt3A_165 = arith.cmpi slt, %iota3A_35, %lt3A_164 : vector<576x1xi32>
      %jit3A_166 = arith.constant -1 : i32
      %broadcast_in_dim3A_167 = vector.broadcast %jit3A_166 : i32 to vector<576x1xi32>
      %select_n3A_168 = arith.select %lt3A_165, %broadcast_in_dim3A_167, %get3A_162 : vector<576x1xi1>, vector<576x1xi32>
      %sub3A_169 = vector.broadcast %get3A_153 : vector<576x1xf32> to vector<576x512xf32>
      %sub3A_170 = vector.broadcast %get3A_24 : vector<1x512xf32> to vector<576x512xf32>
      %sub3A_171 = arith.subf %sub3A_169, %sub3A_170 : vector<576x512xf32>
      %sub3A_172 = vector.broadcast %get3A_156 : vector<576x1xf32> to vector<576x512xf32>
      %sub3A_173 = vector.broadcast %get3A_27 : vector<1x512xf32> to vector<576x512xf32>
      %sub3A_174 = arith.subf %sub3A_172, %sub3A_173 : vector<576x512xf32>
      %sub3A_175 = vector.broadcast %get3A_159 : vector<576x1xf32> to vector<576x512xf32>
      %sub3A_176 = vector.broadcast %get3A_30 : vector<1x512xf32> to vector<576x512xf32>
      %sub3A_177 = arith.subf %sub3A_175, %sub3A_176 : vector<576x512xf32>
      %mul3A_178 = arith.mulf %sub3A_171, %sub3A_171 : vector<576x512xf32>
      %mul3A_179 = arith.mulf %sub3A_174, %sub3A_174 : vector<576x512xf32>
      %add3A_180 = arith.addf %mul3A_178, %mul3A_179 : vector<576x512xf32>
      %mul3A_181 = arith.mulf %sub3A_177, %sub3A_177 : vector<576x512xf32>
      %add3A_182 = arith.addf %add3A_180, %mul3A_181 : vector<576x512xf32>
      %ne3A_183 = vector.broadcast %select_n3A_168 : vector<576x1xi32> to vector<576x512xi32>
      %ne3A_184 = vector.broadcast %get3A_33 : vector<1x512xi32> to vector<576x512xi32>
      %ne3A_185 = arith.cmpi ne, %ne3A_183, %ne3A_184 : vector<576x512xi32>
      %broadcast_in_dim3A_186 = vector.broadcast %while3A : f32 to vector<576x512xf32>
      %select_n3A_187 = arith.select %ne3A_185, %broadcast_in_dim3A_186, %add3A_182 : vector<576x512xi1>, vector<576x512xf32>
      %convert_element_type3A_188 = arith.sitofp %min3A_150 : i32 to f32
      %reduce_min3A = arith.constant dense<0x7F800000> : vector<512xf32>
      %reduce_min3A_189 = vector.multi_reduction <minimumf>, %select_n3A_187, %reduce_min3A [0] : vector<576x512xf32> to vector<512xf32>
      %broadcast_in_dim3A_190 = vector.shape_cast %reduce_min3A_189 : vector<512xf32> to vector<1x512xf32>
      %eq3A = vector.broadcast %broadcast_in_dim3A_190 : vector<1x512xf32> to vector<576x512xf32>
      %eq3A_191 = arith.cmpf oeq, %select_n3A_187, %eq3A : vector<576x512xf32>
      %jit3A_192 = arith.constant 5.760000e+02 : f32
      %broadcast_in_dim3A_193 = vector.broadcast %jit3A_192 : f32 to vector<576x512xf32>
      %select_n3A_194 = arith.select %eq3A_191, %convert_element_type3A_34, %broadcast_in_dim3A_193 : vector<576x512xi1>, vector<576x512xf32>
      %reduce_min3A_195 = arith.constant dense<0x7F800000> : vector<512xf32>
      %reduce_min3A_196 = vector.multi_reduction <minimumf>, %select_n3A_194, %reduce_min3A_195 [0] : vector<576x512xf32> to vector<512xf32>
      %broadcast_in_dim3A_197 = vector.shape_cast %reduce_min3A_196 : vector<512xf32> to vector<1x512xf32>
      %jit3A_198 = arith.constant 3.400000e+38 : f32
      %broadcast_in_dim3A_199 = vector.broadcast %jit3A_198 : f32 to vector<576x512xf32>
      %select_n3A_200 = arith.select %eq3A_191, %broadcast_in_dim3A_199, %select_n3A_187 : vector<576x512xi1>, vector<576x512xf32>
      %add3A_201 = vector.broadcast %convert_element_type3A_188 : f32 to vector<1x512xf32>
      %add3A_202 = arith.addf %broadcast_in_dim3A_197, %add3A_201 : vector<1x512xf32>
      %lt3A_203 = arith.cmpf olt, %broadcast_in_dim3A_190, %while3A_143 : vector<1x512xf32>
      %select_n3A_204 = arith.select %lt3A_203, %broadcast_in_dim3A_190, %while3A_143 : vector<1x512xi1>, vector<1x512xf32>
      %select_n3A_205 = arith.select %lt3A_203, %add3A_202, %while3A_146 : vector<1x512xi1>, vector<1x512xf32>
      %lt3A_206 = arith.cmpf olt, %select_n3A_204, %while3A_142 : vector<1x512xf32>
      %select_n3A_207 = arith.select %lt3A_206, %select_n3A_204, %while3A_142 : vector<1x512xi1>, vector<1x512xf32>
      %select_n3A_208 = arith.select %lt3A_206, %select_n3A_205, %while3A_145 : vector<1x512xi1>, vector<1x512xf32>
      %select_n3A_209 = arith.select %lt3A_206, %while3A_142, %select_n3A_204 : vector<1x512xi1>, vector<1x512xf32>
      %select_n3A_210 = arith.select %lt3A_206, %while3A_145, %select_n3A_205 : vector<1x512xi1>, vector<1x512xf32>
      %lt3A_211 = arith.cmpf olt, %select_n3A_207, %while3A_141 : vector<1x512xf32>
      %select_n3A_212 = arith.select %lt3A_211, %select_n3A_207, %while3A_141 : vector<1x512xi1>, vector<1x512xf32>
      %select_n3A_213 = arith.select %lt3A_211, %select_n3A_208, %while3A_144 : vector<1x512xi1>, vector<1x512xf32>
      %select_n3A_214 = arith.select %lt3A_211, %while3A_141, %select_n3A_207 : vector<1x512xi1>, vector<1x512xf32>
      %select_n3A_215 = arith.select %lt3A_211, %while3A_144, %select_n3A_208 : vector<1x512xi1>, vector<1x512xf32>
      %reduce_min3A_216 = arith.constant dense<0x7F800000> : vector<512xf32>
      %reduce_min3A_217 = vector.multi_reduction <minimumf>, %select_n3A_200, %reduce_min3A_216 [0] : vector<576x512xf32> to vector<512xf32>
      %broadcast_in_dim3A_218 = vector.shape_cast %reduce_min3A_217 : vector<512xf32> to vector<1x512xf32>
      %eq3A_219 = vector.broadcast %broadcast_in_dim3A_218 : vector<1x512xf32> to vector<576x512xf32>
      %eq3A_220 = arith.cmpf oeq, %select_n3A_200, %eq3A_219 : vector<576x512xf32>
      %jit3A_221 = arith.constant 5.760000e+02 : f32
      %broadcast_in_dim3A_222 = vector.broadcast %jit3A_221 : f32 to vector<576x512xf32>
      %select_n3A_223 = arith.select %eq3A_220, %convert_element_type3A_34, %broadcast_in_dim3A_222 : vector<576x512xi1>, vector<576x512xf32>
      %reduce_min3A_224 = arith.constant dense<0x7F800000> : vector<512xf32>
      %reduce_min3A_225 = vector.multi_reduction <minimumf>, %select_n3A_223, %reduce_min3A_224 [0] : vector<576x512xf32> to vector<512xf32>
      %broadcast_in_dim3A_226 = vector.shape_cast %reduce_min3A_225 : vector<512xf32> to vector<1x512xf32>
      %jit3A_227 = arith.constant 3.400000e+38 : f32
      %broadcast_in_dim3A_228 = vector.broadcast %jit3A_227 : f32 to vector<576x512xf32>
      %select_n3A_229 = arith.select %eq3A_220, %broadcast_in_dim3A_228, %select_n3A_200 : vector<576x512xi1>, vector<576x512xf32>
      %add3A_230 = vector.broadcast %convert_element_type3A_188 : f32 to vector<1x512xf32>
      %add3A_231 = arith.addf %broadcast_in_dim3A_226, %add3A_230 : vector<1x512xf32>
      %lt3A_232 = arith.cmpf olt, %broadcast_in_dim3A_218, %select_n3A_209 : vector<1x512xf32>
      %select_n3A_233 = arith.select %lt3A_232, %broadcast_in_dim3A_218, %select_n3A_209 : vector<1x512xi1>, vector<1x512xf32>
      %select_n3A_234 = arith.select %lt3A_232, %add3A_231, %select_n3A_210 : vector<1x512xi1>, vector<1x512xf32>
      %lt3A_235 = arith.cmpf olt, %select_n3A_233, %select_n3A_214 : vector<1x512xf32>
      %select_n3A_236 = arith.select %lt3A_235, %select_n3A_233, %select_n3A_214 : vector<1x512xi1>, vector<1x512xf32>
      %select_n3A_237 = arith.select %lt3A_235, %select_n3A_234, %select_n3A_215 : vector<1x512xi1>, vector<1x512xf32>
      %select_n3A_238 = arith.select %lt3A_235, %select_n3A_214, %select_n3A_233 : vector<1x512xi1>, vector<1x512xf32>
      %select_n3A_239 = arith.select %lt3A_235, %select_n3A_215, %select_n3A_234 : vector<1x512xi1>, vector<1x512xf32>
      %lt3A_240 = arith.cmpf olt, %select_n3A_236, %select_n3A_212 : vector<1x512xf32>
      %select_n3A_241 = arith.select %lt3A_240, %select_n3A_236, %select_n3A_212 : vector<1x512xi1>, vector<1x512xf32>
      %select_n3A_242 = arith.select %lt3A_240, %select_n3A_237, %select_n3A_213 : vector<1x512xi1>, vector<1x512xf32>
      %select_n3A_243 = arith.select %lt3A_240, %select_n3A_212, %select_n3A_236 : vector<1x512xi1>, vector<1x512xf32>
      %select_n3A_244 = arith.select %lt3A_240, %select_n3A_213, %select_n3A_237 : vector<1x512xi1>, vector<1x512xf32>
      %reduce_min3A_245 = arith.constant dense<0x7F800000> : vector<512xf32>
      %reduce_min3A_246 = vector.multi_reduction <minimumf>, %select_n3A_229, %reduce_min3A_245 [0] : vector<576x512xf32> to vector<512xf32>
      %broadcast_in_dim3A_247 = vector.shape_cast %reduce_min3A_246 : vector<512xf32> to vector<1x512xf32>
      %eq3A_248 = vector.broadcast %broadcast_in_dim3A_247 : vector<1x512xf32> to vector<576x512xf32>
      %eq3A_249 = arith.cmpf oeq, %select_n3A_229, %eq3A_248 : vector<576x512xf32>
      %jit3A_250 = arith.constant 5.760000e+02 : f32
      %broadcast_in_dim3A_251 = vector.broadcast %jit3A_250 : f32 to vector<576x512xf32>
      %select_n3A_252 = arith.select %eq3A_249, %convert_element_type3A_34, %broadcast_in_dim3A_251 : vector<576x512xi1>, vector<576x512xf32>
      %reduce_min3A_253 = arith.constant dense<0x7F800000> : vector<512xf32>
      %reduce_min3A_254 = vector.multi_reduction <minimumf>, %select_n3A_252, %reduce_min3A_253 [0] : vector<576x512xf32> to vector<512xf32>
      %broadcast_in_dim3A_255 = vector.shape_cast %reduce_min3A_254 : vector<512xf32> to vector<1x512xf32>
      %add3A_256 = vector.broadcast %convert_element_type3A_188 : f32 to vector<1x512xf32>
      %add3A_257 = arith.addf %broadcast_in_dim3A_255, %add3A_256 : vector<1x512xf32>
      %lt3A_258 = arith.cmpf olt, %broadcast_in_dim3A_247, %select_n3A_238 : vector<1x512xf32>
      %select_n3A_259 = arith.select %lt3A_258, %broadcast_in_dim3A_247, %select_n3A_238 : vector<1x512xi1>, vector<1x512xf32>
      %select_n3A_260 = arith.select %lt3A_258, %add3A_257, %select_n3A_239 : vector<1x512xi1>, vector<1x512xf32>
      %lt3A_261 = arith.cmpf olt, %select_n3A_259, %select_n3A_243 : vector<1x512xf32>
      %select_n3A_262 = arith.select %lt3A_261, %select_n3A_259, %select_n3A_243 : vector<1x512xi1>, vector<1x512xf32>
      %select_n3A_263 = arith.select %lt3A_261, %select_n3A_260, %select_n3A_244 : vector<1x512xi1>, vector<1x512xf32>
      %select_n3A_264 = arith.select %lt3A_261, %select_n3A_243, %select_n3A_259 : vector<1x512xi1>, vector<1x512xf32>
      %select_n3A_265 = arith.select %lt3A_261, %select_n3A_244, %select_n3A_260 : vector<1x512xi1>, vector<1x512xf32>
      %lt3A_266 = arith.cmpf olt, %select_n3A_262, %select_n3A_241 : vector<1x512xf32>
      %select_n3A_267 = arith.select %lt3A_266, %select_n3A_262, %select_n3A_241 : vector<1x512xi1>, vector<1x512xf32>
      %select_n3A_268 = arith.select %lt3A_266, %select_n3A_263, %select_n3A_242 : vector<1x512xi1>, vector<1x512xf32>
      %select_n3A_269 = arith.select %lt3A_266, %select_n3A_241, %select_n3A_262 : vector<1x512xi1>, vector<1x512xf32>
      %select_n3A_270 = arith.select %lt3A_266, %select_n3A_242, %select_n3A_263 : vector<1x512xi1>, vector<1x512xf32>
      scf.yield %select_n3A_267, %select_n3A_269, %select_n3A_264, %select_n3A_268, %select_n3A_270, %select_n3A_265 : vector<1x512xf32>, vector<1x512xf32>, vector<1x512xf32>, vector<1x512xf32>, vector<1x512xf32>, vector<1x512xf32>
    }
    %max3A = arith.constant 1.000000e-16 : f32
    %max3A_111 = vector.broadcast %max3A : f32 to vector<1x512xf32>
    %max3A_112 = arith.maximumf %while3A_110#0, %max3A_111 : vector<1x512xf32>
    %div3A_113 = arith.constant 1.000000e+00 : f32
    %div3A_114 = vector.broadcast %div3A_113 : f32 to vector<1x512xf32>
    %div3A_115 = arith.divf %div3A_114, %max3A_112 : vector<1x512xf32>
    %max3A_116 = arith.constant 1.000000e-16 : f32
    %max3A_117 = vector.broadcast %max3A_116 : f32 to vector<1x512xf32>
    %max3A_118 = arith.maximumf %while3A_110#1, %max3A_117 : vector<1x512xf32>
    %div3A_119 = arith.constant 1.000000e+00 : f32
    %div3A_120 = vector.broadcast %div3A_119 : f32 to vector<1x512xf32>
    %div3A_121 = arith.divf %div3A_120, %max3A_118 : vector<1x512xf32>
    %max3A_122 = arith.constant 1.000000e-16 : f32
    %max3A_123 = vector.broadcast %max3A_122 : f32 to vector<1x512xf32>
    %max3A_124 = arith.maximumf %while3A_110#2, %max3A_123 : vector<1x512xf32>
    %div3A_125 = arith.constant 1.000000e+00 : f32
    %div3A_126 = vector.broadcast %div3A_125 : f32 to vector<1x512xf32>
    %div3A_127 = arith.divf %div3A_126, %max3A_124 : vector<1x512xf32>
    %add3A_128 = arith.addf %div3A_115, %div3A_121 : vector<1x512xf32>
    %add3A_129 = arith.addf %add3A_128, %div3A_127 : vector<1x512xf32>
    %concatenate3A = tpu.concatenate %while3A_110#3, %while3A_110#4, %while3A_110#5 in 0 : vector<1x512xf32>, vector<1x512xf32>, vector<1x512xf32> -> vector<3x512xf32>
    %convert_element_type3A_130 = arith.fptosi %concatenate3A : vector<3x512xf32> to vector<3x512xi32>
    %swap3A = arith.constant 0 : index
    %swap3A_131 = arith.constant 0 : index
    %swap3A_132 = vector.load %arg6[%swap3A, %swap3A_131] : memref<3x512xi32, #tpu.memory_space<vmem>>, vector<3x512xi32>
    tpu.vector_store %arg6[%swap3A, %swap3A_131], %convert_element_type3A_130 {strides = array<i32>} : memref<3x512xi32, #tpu.memory_space<vmem>>, vector<3x512xi32>,
    %div3A_133 = arith.divf %div3A_115, %add3A_129 : vector<1x512xf32>
    %div3A_134 = arith.divf %div3A_121, %add3A_129 : vector<1x512xf32>
    %div3A_135 = arith.divf %div3A_127, %add3A_129 : vector<1x512xf32>
    %concatenate3A_136 = tpu.concatenate %div3A_133, %div3A_134, %div3A_135 in 0 : vector<1x512xf32>, vector<1x512xf32>, vector<1x512xf32> -> vector<3x512xf32>
    %swap3A_137 = arith.constant 0 : index
    %swap3A_138 = arith.constant 0 : index
    %swap3A_139 = vector.load %arg7[%swap3A_137, %swap3A_138] : memref<3x512xf32, #tpu.memory_space<vmem>>, vector<3x512xf32>
    tpu.vector_store %arg7[%swap3A_137, %swap3A_138], %concatenate3A_136 {strides = array<i32>} : memref<3x512xf32, #tpu.memory_space<vmem>>, vector<3x512xf32>,
    return
  }
  func.func @transform_0(%arg0: i32) -> (i32, i32) {
    %c0_i32 = arith.constant 0 : i32
    %c0_i32_0 = arith.constant 0 : i32
    return %c0_i32, %arg0 : i32, i32
  }
  func.func @transform_1(%arg0: i32) -> (i32, i32) {
    %c0_i32 = arith.constant 0 : i32
    %c0_i32_0 = arith.constant 0 : i32
    return %c0_i32, %arg0 : i32, i32
  }
  func.func @transform_2(%arg0: i32) -> (i32, i32) {
    %c0_i32 = arith.constant 0 : i32
    %c0_i32_0 = arith.constant 0 : i32
    %c0_i32_1 = arith.constant 0 : i32
    return %c0_i32, %c0_i32_0 : i32, i32
  }
  func.func @transform_3(%arg0: i32) -> (i32, i32) {
    %c0_i32 = arith.constant 0 : i32
    %c0_i32_0 = arith.constant 0 : i32
    %c0_i32_1 = arith.constant 0 : i32
    return %c0_i32, %c0_i32_0 : i32, i32
  }
  func.func @transform_4(%arg0: i32) -> (i32, i32) {
    %c0_i32 = arith.constant 0 : i32
    %c0_i32_0 = arith.constant 0 : i32
    %c0_i32_1 = arith.constant 0 : i32
    return %c0_i32, %c0_i32_0 : i32, i32
  }
  func.func @transform_5(%arg0: i32) -> (i32, i32) {
    %c0_i32 = arith.constant 0 : i32
    %c0_i32_0 = arith.constant 0 : i32
    return %c0_i32, %arg0 : i32, i32
  }
  func.func @transform_6(%arg0: i32) -> (i32, i32) {
    %c0_i32 = arith.constant 0 : i32
    %c0_i32_0 = arith.constant 0 : i32
    return %c0_i32, %arg0 : i32, i32
  }
}

module attributes {stable_mosaic.version = 14 : i64} {
  func.func @_mlp_body(%arg0: i32, %arg1: memref<2048x256xf32, #tpu.memory_space<vmem>>, %arg2: memref<2048x256xf32, #tpu.memory_space<vmem>>, %arg3: memref<2048x256xf32, #tpu.memory_space<vmem>>, %arg4: memref<2048x3xf32, #tpu.memory_space<vmem>>, %arg5: memref<2048x128xf32, #tpu.memory_space<vmem>>, %arg6: memref<256x512xbf16, #tpu.memory_space<vmem>>, %arg7: memref<128x512xbf16, #tpu.memory_space<vmem>>, %arg8: memref<1x512xf32, #tpu.memory_space<vmem>>, %arg9: memref<512x512xbf16, #tpu.memory_space<vmem>>, %arg10: memref<1x512xf32, #tpu.memory_space<vmem>>, %arg11: memref<2048x512xf32, #tpu.memory_space<vmem>>) attributes {dimension_semantics = [#tpu.dimension_semantics<arbitrary>], iteration_bounds = array<i64: 8>, scalar_prefetch = 0 : i64, scratch_operands = 0 : i64, tpu.core_type = #tpu.core_type<tc>, window_params = [{transform_indices = @transform_0, window_bounds = array<i64: 2048, 256>}, {transform_indices = @transform_1, window_bounds = array<i64: 2048, 256>}, {transform_indices = @transform_2, window_bounds = array<i64: 2048, 256>}, {transform_indices = @transform_3, window_bounds = array<i64: 2048, 3>}, {transform_indices = @transform_4, window_bounds = array<i64: 2048, 128>}, {pipeline_mode = #tpu.pipeline_mode<synchronous>, transform_indices = @transform_5, window_bounds = array<i64: 256, 512>}, {pipeline_mode = #tpu.pipeline_mode<synchronous>, transform_indices = @transform_6, window_bounds = array<i64: 128, 512>}, {pipeline_mode = #tpu.pipeline_mode<synchronous>, transform_indices = @transform_7, window_bounds = array<i64: 1, 512>}, {pipeline_mode = #tpu.pipeline_mode<synchronous>, transform_indices = @transform_8, window_bounds = array<i64: 512, 512>}, {pipeline_mode = #tpu.pipeline_mode<synchronous>, transform_indices = @transform_9, window_bounds = array<i64: 1, 512>}, {transform_indices = @transform_10, window_bounds = array<i64: 2048, 512>}]} {
    %get3A = arith.constant 0 : index
    %get3A_0 = arith.constant 0 : index
    %get3A_1 = vector.load %arg4[%get3A, %get3A_0] : memref<2048x3xf32, #tpu.memory_space<vmem>>, vector<2048x1xf32>
    %get3A_2 = arith.constant 0 : index
    %get3A_3 = arith.constant 1 : index
    %get3A_4 = vector.load %arg4[%get3A_2, %get3A_3] : memref<2048x3xf32, #tpu.memory_space<vmem>>, vector<2048x1xf32>
    %get3A_5 = arith.constant 0 : index
    %get3A_6 = arith.constant 2 : index
    %get3A_7 = vector.load %arg4[%get3A_5, %get3A_6] : memref<2048x3xf32, #tpu.memory_space<vmem>>, vector<2048x1xf32>
    %get3A_8 = arith.constant 0 : index
    %get3A_9 = arith.constant 0 : index
    %get3A_10 = vector.load %arg1[%get3A_8, %get3A_9] : memref<2048x256xf32, #tpu.memory_space<vmem>>, vector<2048x256xf32>
    %mul3A = vector.broadcast %get3A_1 : vector<2048x1xf32> to vector<2048x256xf32>
    %mul3A_11 = arith.mulf %get3A_10, %mul3A : vector<2048x256xf32>
    %get3A_12 = arith.constant 0 : index
    %get3A_13 = arith.constant 0 : index
    %get3A_14 = vector.load %arg2[%get3A_12, %get3A_13] : memref<2048x256xf32, #tpu.memory_space<vmem>>, vector<2048x256xf32>
    %mul3A_15 = vector.broadcast %get3A_4 : vector<2048x1xf32> to vector<2048x256xf32>
    %mul3A_16 = arith.mulf %get3A_14, %mul3A_15 : vector<2048x256xf32>
    %add3A = arith.addf %mul3A_11, %mul3A_16 : vector<2048x256xf32>
    %get3A_17 = arith.constant 0 : index
    %get3A_18 = arith.constant 0 : index
    %get3A_19 = vector.load %arg3[%get3A_17, %get3A_18] : memref<2048x256xf32, #tpu.memory_space<vmem>>, vector<2048x256xf32>
    %mul3A_20 = vector.broadcast %get3A_7 : vector<2048x1xf32> to vector<2048x256xf32>
    %mul3A_21 = arith.mulf %get3A_19, %mul3A_20 : vector<2048x256xf32>
    %add3A_22 = arith.addf %add3A, %mul3A_21 : vector<2048x256xf32>
    %convert_element_type3A = arith.truncf %add3A_22 : vector<2048x256xf32> to vector<2048x256xbf16>
    %get3A_23 = arith.constant 0 : index
    %get3A_24 = arith.constant 0 : index
    %get3A_25 = vector.load %arg6[%get3A_23, %get3A_24] : memref<256x512xbf16, #tpu.memory_space<vmem>>, vector<256x512xbf16>
    %dot_general3A = arith.constant dense<0.000000e+00> : vector<2048x512xf32>
    %dot_general3A_26 = tpu.matmul %convert_element_type3A, %get3A_25, %dot_general3A {dimension_numbers = #tpu.dot_dimension_numbers<[1], [0], [0], [1], [0, 0, 1, 1], [], []>, transpose_lhs_hint = false} : vector<2048x256xbf16>, vector<256x512xbf16>, vector<2048x512xf32> -> vector<2048x512xf32>
    %get3A_27 = arith.constant 0 : index
    %get3A_28 = arith.constant 0 : index
    %get3A_29 = vector.load %arg5[%get3A_27, %get3A_28] : memref<2048x128xf32, #tpu.memory_space<vmem>>, vector<2048x128xf32>
    %convert_element_type3A_30 = arith.truncf %get3A_29 : vector<2048x128xf32> to vector<2048x128xbf16>
    %get3A_31 = arith.constant 0 : index
    %get3A_32 = arith.constant 0 : index
    %get3A_33 = vector.load %arg7[%get3A_31, %get3A_32] : memref<128x512xbf16, #tpu.memory_space<vmem>>, vector<128x512xbf16>
    %dot_general3A_34 = arith.constant dense<0.000000e+00> : vector<2048x512xf32>
    %dot_general3A_35 = tpu.matmul %convert_element_type3A_30, %get3A_33, %dot_general3A_34 {dimension_numbers = #tpu.dot_dimension_numbers<[1], [0], [0], [1], [0, 0, 1, 1], [], []>, transpose_lhs_hint = false} : vector<2048x128xbf16>, vector<128x512xbf16>, vector<2048x512xf32> -> vector<2048x512xf32>
    %add3A_36 = arith.addf %dot_general3A_26, %dot_general3A_35 : vector<2048x512xf32>
    %get3A_37 = arith.constant 0 : index
    %get3A_38 = arith.constant 0 : index
    %get3A_39 = vector.load %arg8[%get3A_37, %get3A_38] : memref<1x512xf32, #tpu.memory_space<vmem>>, vector<1x512xf32>
    %add3A_40 = vector.broadcast %get3A_39 : vector<1x512xf32> to vector<2048x512xf32>
    %add3A_41 = arith.addf %add3A_36, %add3A_40 : vector<2048x512xf32>
    %max3A = arith.constant 0.000000e+00 : f32
    %max3A_42 = vector.broadcast %max3A : f32 to vector<2048x512xf32>
    %max3A_43 = arith.maximumf %add3A_41, %max3A_42 : vector<2048x512xf32>
    %convert_element_type3A_44 = arith.truncf %max3A_43 : vector<2048x512xf32> to vector<2048x512xbf16>
    %get3A_45 = arith.constant 0 : index
    %get3A_46 = arith.constant 0 : index
    %get3A_47 = vector.load %arg9[%get3A_45, %get3A_46] : memref<512x512xbf16, #tpu.memory_space<vmem>>, vector<512x512xbf16>
    %dot_general3A_48 = arith.constant dense<0.000000e+00> : vector<2048x512xf32>
    %dot_general3A_49 = tpu.matmul %convert_element_type3A_44, %get3A_47, %dot_general3A_48 {dimension_numbers = #tpu.dot_dimension_numbers<[1], [0], [0], [1], [0, 0, 1, 1], [], []>, transpose_lhs_hint = false} : vector<2048x512xbf16>, vector<512x512xbf16>, vector<2048x512xf32> -> vector<2048x512xf32>
    %get3A_50 = arith.constant 0 : index
    %get3A_51 = arith.constant 0 : index
    %get3A_52 = vector.load %arg10[%get3A_50, %get3A_51] : memref<1x512xf32, #tpu.memory_space<vmem>>, vector<1x512xf32>
    %add3A_53 = vector.broadcast %get3A_52 : vector<1x512xf32> to vector<2048x512xf32>
    %add3A_54 = arith.addf %dot_general3A_49, %add3A_53 : vector<2048x512xf32>
    %swap3A = arith.constant 0 : index
    %swap3A_55 = arith.constant 0 : index
    %swap3A_56 = vector.load %arg11[%swap3A, %swap3A_55] : memref<2048x512xf32, #tpu.memory_space<vmem>>, vector<2048x512xf32>
    tpu.vector_store %arg11[%swap3A, %swap3A_55], %add3A_54 {strides = array<i32>} : memref<2048x512xf32, #tpu.memory_space<vmem>>, vector<2048x512xf32>,
    return
  }
  func.func @transform_0(%arg0: i32) -> (i32, i32) {
    %c0_i32 = arith.constant 0 : i32
    %c0_i32_0 = arith.constant 0 : i32
    return %arg0, %c0_i32 : i32, i32
  }
  func.func @transform_1(%arg0: i32) -> (i32, i32) {
    %add3A = arith.constant 8 : i32
    %add3A_0 = arith.addi %arg0, %add3A : i32
    %c0_i32 = arith.constant 0 : i32
    %c0_i32_1 = arith.constant 0 : i32
    return %add3A_0, %c0_i32 : i32, i32
  }
  func.func @transform_2(%arg0: i32) -> (i32, i32) {
    %add3A = arith.constant 16 : i32
    %add3A_0 = arith.addi %arg0, %add3A : i32
    %c0_i32 = arith.constant 0 : i32
    %c0_i32_1 = arith.constant 0 : i32
    return %add3A_0, %c0_i32 : i32, i32
  }
  func.func @transform_3(%arg0: i32) -> (i32, i32) {
    %c0_i32 = arith.constant 0 : i32
    %c0_i32_0 = arith.constant 0 : i32
    return %arg0, %c0_i32 : i32, i32
  }
  func.func @transform_4(%arg0: i32) -> (i32, i32) {
    %c0_i32 = arith.constant 0 : i32
    %c0_i32_0 = arith.constant 0 : i32
    return %arg0, %c0_i32 : i32, i32
  }
  func.func @transform_5(%arg0: i32) -> (i32, i32) {
    %c0_i32 = arith.constant 0 : i32
    %c0_i32_0 = arith.constant 0 : i32
    %c0_i32_1 = arith.constant 0 : i32
    return %c0_i32, %c0_i32_0 : i32, i32
  }
  func.func @transform_6(%arg0: i32) -> (i32, i32) {
    %c0_i32 = arith.constant 0 : i32
    %c0_i32_0 = arith.constant 0 : i32
    %c0_i32_1 = arith.constant 0 : i32
    return %c0_i32, %c0_i32_0 : i32, i32
  }
  func.func @transform_7(%arg0: i32) -> (i32, i32) {
    %c0_i32 = arith.constant 0 : i32
    %c0_i32_0 = arith.constant 0 : i32
    %c0_i32_1 = arith.constant 0 : i32
    return %c0_i32, %c0_i32_0 : i32, i32
  }
  func.func @transform_8(%arg0: i32) -> (i32, i32) {
    %c0_i32 = arith.constant 0 : i32
    %c0_i32_0 = arith.constant 0 : i32
    %c0_i32_1 = arith.constant 0 : i32
    return %c0_i32, %c0_i32_0 : i32, i32
  }
  func.func @transform_9(%arg0: i32) -> (i32, i32) {
    %c0_i32 = arith.constant 0 : i32
    %c0_i32_0 = arith.constant 0 : i32
    %c0_i32_1 = arith.constant 0 : i32
    return %c0_i32, %c0_i32_0 : i32, i32
  }
  func.func @transform_10(%arg0: i32) -> (i32, i32) {
    %c0_i32 = arith.constant 0 : i32
    %c0_i32_0 = arith.constant 0 : i32
    return %arg0, %c0_i32 : i32, i32
  }
}

</mosaic_0001>

<sc_bundles>
// kernel: kernel.5.cloned.1.call-start
scs
__scs_entry_jumppad:
0x0: {  	(pc) =	sbr.rel $0x88, $3  }
0x1: {  	(tag) =	ssettag $0x0;
	lr =	simm.s32 $0x1  }
0x2: {  	[smem:$0x3F97] =	sst lr;
	_ =	strace $0xD0000000  }
0x3: {  	_ = 	snop  }
0x4: {  	_ = 	snop  }
0x5: {  	_ = 	snop  }
0x6: {  	_ = 	snop  }
0x7: {  	_ = 	snop  }
__scs_overlays_trampoline_lowered:
0x8: {  	[smem:$0x3FA6] =	sst s0  }
0x9: {  	[smem:$0x3FA7] =	sst s1  }
0xa: {  	[smem:$0x3FA8] =	sst s2  }
0xb: {  	[smem:$0x3FA9] =	sst s3  }
0xc: {  	[smem:$0x3FAA] =	sst s4  }
0xd: {  	[smem:$0x3FAB] =	sst s5  }
0xe: {  	[smem:$0x3FAC] =	sst s6  }
0xf: {  	[smem:$0x3FAD] =	sst s7  }
0x10: {  	[smem:$0x3FAE] =	sst s8  }
0x11: {  	[smem:$0x3FAF] =	sst s9;
	s0 =	simm.s32 @!p0 $0x0  }
0x12: {  	s1 =	sld [smem:$0x3F95];
	s0 =	simm.s32 @p0 $0x1  }
0x13: {  	[smem:$0x3FB0] =	sst s0;
	s0 =	simm.s32 @!p1 $0x0  }
0x14: {  	s2 =	sld [smem:$0x3F94];
	s0 =	simm.s32 @p1 $0x1  }
0x15: {  	[smem:$0x3FB1] =	sst s0;
	s0 =	simm.s32 @!p2 $0x0  }
0x16: {  	s3 =	sld [smem:$0x3FDB];
	s0 =	simm.s32 @p2 $0x1  }
0x17: {  	s4 =	simm.s32 $0x1BF5;
	[smem:$0x3FB3] =	sst s0  }
0x18: {  	s0 =	sld [smem:$0x3F96];
	_ =	swait.ge [sflag:s4], $0x0  }
0x19: {  	s7 =	sld [smem:$0x3F97]  }
0x1a: {  	s8 =	sadd.s32 $0xFFFFE003, lr  }
0x1b: {  	s9 =	sadd.s32 $0xFFFFFEF7, lr;
	s5 =	simm.s32 $0xFFFFFFFF;
	p2 =	slt.u32 s8, $0xFFFFF086  }
0x1c: {  	p1 =	slt.u32 s9, $0xF7A;
	s5 =	simm.s32 @!p2 $0x0  }
0x1d: {  	s5 =	simm.s32 @p1 $0x1;
	p0 =	seq.s32 s7, s2  }
0x1e: {  	s7 =	smul.u32 @!p0 $0xF7A, s2;
	p2 =	seq.s32 @!p0 s5, $0x0  }
0x1f: {  	s9 =	smul.u32 $0xF7A, s1;
	s8 =	simm.s32 @!p0 $0x1BF5;
	p2 =	por !p2, p0  }
0x20: {  	[sflag:s8] =	ssyncset.s32 @!p0 $0xFFFFF086;
	s6 =	sadd.s32 @!p0 s3, s7;
	s7 =	simm.s32 @!p0 $0x108  }
0x21: {  	s3 =	sadd.s32 s3, s9;
	s6 =	sadd.s32 @!p0 $0x88, s6;
	s7 =	simm.s32 @p2 $0x1082  }
0x22: {  	[simem:s7], [sflag:s8] =	dma.local @!p0 [hbm:s6], $0xF7A  }
0x23: {  	s9 =	sor.u32 $0xD0000000, s2;
	s6 =	simm.s32 $0x108;
	_ =	swait.ge @!p0 [sflag:s8], $0x0  }
0x24: {  	s3 =	sadd.s32 $0x88, s3;
	s6 =	simm.s32 @!p1 $0x1082;
	[sflag:s4] =	ssyncset.s32 $0xFFFFF086  }
0x25: {  	[simem:s6], [sflag:s4] =	dma.local [hbm:s3], $0xF7A  }
0x26: {  	[smem:$0x3F97] =	sst s1;
	(tag) =	ssettag s2;
	_ =	strace s9  }
0x27: {  	s1 =	sld [smem:$0x3FA7]  }
0x28: {  	s2 =	sld [smem:$0x3FA8]  }
0x29: {  	s4 =	sld [smem:$0x3FAA]  }
0x2a: {  	p0 =	seq.s32 s5, $0x0;
	s5 =	sld [smem:$0x3FAB]  }
0x2b: {  	s6 =	sld [smem:$0x3FAC]  }
0x2c: {  	s7 =	sld [smem:$0x3FAD]  }
0x2d: {  	s3 =	simm.s32 $0x108;
	s8 =	sld [smem:$0x3FAE]  }
0x2e: {  	s3 =	simm.s32 @!p0 $0x1082;
	s9 =	sld [smem:$0x3FAF]  }
0x2f: {  	lr =	sadd.s32 s0, s3;
	s0 =	sld [smem:$0x3FA6]  }
0x30: {  	s3 =	sld [smem:$0x3FA9]  }
0x31: {  	[smem:$0x3FB2] =	sst s10  }
0x32: {  	s10 =	sld [smem:$0x3FB0];
	_ =	sdelay $0x3  }
0x33: {  	p0 =	seq.s32 s10, $0x1;
	s10 =	sld [smem:$0x3FB2];
	_ =	sdelay $0x3  }
0x34: {  	[smem:$0x3FB2] =	sst s10  }
0x35: {  	s10 =	sld [smem:$0x3FB1];
	_ =	sdelay $0x3  }
0x36: {  	p1 =	seq.s32 s10, $0x1;
	s10 =	sld [smem:$0x3FB2];
	_ =	sdelay $0x3  }
0x37: {  	[smem:$0x3FB2] =	sst s10  }
0x38: {  	s10 =	sld [smem:$0x3FB3]  }
0x39: {  	_ = 	snop;
	(pc) =	sbr.ind lr, $3  }
0x3a: {  	_ = 	snop  }
0x3b: {  	_ = 	snop  }
0x3c: {  	p2 =	seq.s32 s10, $0x1;
	s10 =	sld [smem:$0x3FB2]  }
0x3d: {  	_ =	shalt  }
0x3e: {  	_ =	shalt  }
0x3f: {  	_ =	shalt  }
0x40: {  	_ =	shalt  }
0x41: {  	_ =	shalt  }
0x42: {  	_ =	shalt  }
0x43: {  	_ =	shalt  }
0x44: {  	_ =	shalt  }
0x45: {  	_ =	shalt  }
0x46: {  	_ =	shalt  }
0x47: {  	_ =	shalt  }
0x48: {  	_ =	shalt  }
0x49: {  	_ =	shalt  }
0x4a: {  	_ =	shalt  }
0x4b: {  	_ =	shalt  }
0x4c: {  	_ =	shalt  }
0x4d: {  	_ =	shalt  }
0x4e: {  	_ =	shalt  }
0x4f: {  	_ =	shalt  }
0x50: {  	_ =	shalt  }
0x51: {  	_ =	shalt  }
0x52: {  	_ =	shalt  }
0x53: {  	_ =	shalt  }
0x54: {  	_ =	shalt  }
0x55: {  	_ =	shalt  }
0x56: {  	_ =	shalt  }
0x57: {  	_ =	shalt  }
0x58: {  	_ =	shalt  }
0x59: {  	_ =	shalt  }
0x5a: {  	_ =	shalt  }
0x5b: {  	_ =	shalt  }
0x5c: {  	_ =	shalt  }
0x5d: {  	_ =	shalt  }
0x5e: {  	_ =	shalt  }
0x5f: {  	_ =	shalt  }
0x60: {  	_ =	shalt  }
0x61: {  	_ =	shalt  }
0x62: {  	_ =	shalt  }
0x63: {  	_ =	shalt  }
0x64: {  	_ =	shalt  }
0x65: {  	_ =	shalt  }
0x66: {  	_ =	shalt  }
0x67: {  	_ =	shalt  }
0x68: {  	_ =	shalt  }
0x69: {  	_ =	shalt  }
0x6a: {  	_ =	shalt  }
0x6b: {  	_ =	shalt  }
0x6c: {  	_ =	shalt  }
0x6d: {  	_ =	shalt  }
0x6e: {  	_ =	shalt  }
0x6f: {  	_ =	shalt  }
0x70: {  	_ =	shalt  }
0x71: {  	_ =	shalt  }
0x72: {  	_ =	shalt  }
0x73: {  	_ =	shalt  }
0x74: {  	_ =	shalt  }
0x75: {  	_ =	shalt  }
0x76: {  	_ =	shalt  }
0x77: {  	_ =	shalt  }
0x78: {  	_ =	shalt  }
0x79: {  	_ =	shalt  }
0x7a: {  	_ =	shalt  }
0x7b: {  	_ =	shalt  }
0x7c: {  	_ =	shalt  }
0x7d: {  	_ =	shalt  }
0x7e: {  	_ =	shalt  }
0x7f: {  	_ =	shalt  }
0x80: {  	_ =	shalt  }
0x81: {  	_ =	shalt  }
0x82: {  	_ =	shalt  }
0x83: {  	_ =	shalt  }
0x84: {  	_ =	shalt  }
0x85: {  	_ =	shalt  }
0x86: {  	_ =	shalt  }
0x87: {  	_ =	shalt  }
.Lfunc_end0:
.L_simem_size_0:
called_computation_lowered:
.L_overlay_start_0:
0x88: {  	s2 =	sld [smem:$0x3FD9]  }
0x89: {  	s3 =	sld [smem:$0x3FFE];
	_ =	sdelay $0x1  }
0x8a: {  	s1 =	srdreg.scid  }
0x8b: {  	s0 =	sand.u32 $0x1, s1  }
0x8c: {  	s17 =	sshll.u32 s0, $0xA;
	s2 =	sadd.s32 s3, s2  }
0x8d: {  	s2 =	sadd.s32 s2, s17  }
0x8e: {  	[smem:$0x3FBE] =	sst s2  }
0x8f: {  	_ = 	snop  }
0x90: {  	s2 =	sld [smem:$0x3FC9]  }
0x91: {  	s18 =	sld [smem:$0x3FD0];
	(tm) =	ssettm $0x1  }
0x92: {  	s4 =	sld [smem:$0x3FFB];
	_ =	sdelay $0x3  }
0x93: {  	_ =	strace s4  }
0x94: {  	s4 =	sld [smem:$0x3FFC];
	_ =	sdelay $0x3  }
0x95: {  	_ =	strace s4  }
0x96: {  	s4 =	sld [smem:$0x3FFD];
	_ =	sdelay $0x3  }
0x97: {  	_ =	strace s4  }
0x98: {  	_ =	strace $0x8FFFFFFF  }
0x99: {  	s19 =	sld [smem:$0x3FDB];
	_ =	sdelay $0x1  }
0x9a: {  	s5 =	simm.s32 $_scs_section_size  }
0x9b: {  	s6 =	simm.s32 $_size__tile_overlayer_lowered;
	s7 =	simm.s32 $_tile_overlayer_lowered  }
0x9c: {  	s22 =	simm.s32 $0x1BFF;
	s21 =	sshll.u32 s7, $0x1;
	s4 =	sadd.s32 s5, s19  }
0x9d: {  	s8 =	simm.s32 $0x0;
	s20 =	sshll.u32 s6, $0x1;
	s6 =	sadd.s32 s21, s4  }
0x9e: {  	[timem:s8], [sflag:s22] =	dma.local [hbm:s6], s20  }
0x9f: {  	_ =	swait.ge [sflag:s22], s20  }
0xa0: {  	s5 =	ssub.s32 $0x0, s20;
	[sflag:s22] =	ssyncset.done $0x0  }
0xa1: {  	[sflag:s22] =	ssyncadd.s32 s5;
	_ =	sdelay $0x1  }
0xa2: {  	s23 =	simm.s32 $0x1B8B  }
0xa3: {  	_ =	swait.ge [sflag:s23], $0x1  }
0xa4: {  	[sflag:s23] =	ssyncset.done $0x0  }
0xa5: {  	s25 =	simm.s32 $0x1B8E;
	s24 =	sld [smem:$0x3FFE];
	[sflag:s23] =	ssyncadd.s32 $0xFFFFFFFF  }
0xa6: {  	s26 =	simm.s32 $execute0_lowered;
	[smem:$0x3FD2] =	sst s25  }
0xa7: {  	s6 =	sshll.u32 s26, $0x1;
	_ =	strace $0x80000046;
	[dreg:$0x1] =	wrdreg $0xFFFFFFFF  }
0xa8: {  	s28 =	simm.s32 $_size_execute0_lowered;
	s4 =	sadd.s32 s4, s6;
	[dreg:$0x0] =	wrdreg $0x0  }
0xa9: {  	s6 =	sshll.u32 s28, $0x1;
	[dreg:$0x2] =	wrdreg s4  }
0xaa: {  	[dreg:$0x3] =	wrdreg s6  }
0xab: {  	[dreg:$0x4] =	wrdreg $0xC0  }
0xac: {  	_ =	task [dreg:s8], $0x5FFFF  }
0xad: {  	[dreg:$0x1] =	wrdreg $0xFFFFFFFF  }
0xae: {  	[dreg:$0x0] =	wrdreg $0x60  }
0xaf: {  	[dreg:$0x2] =	wrdreg s2  }
0xb0: {  	[dreg:$0x3] =	wrdreg s18  }
0xb1: {  	[dreg:$0x4] =	wrdreg s24  }
0xb2: {  	[dreg:$0x5] =	wrdreg $0x9  }
0xb3: {  	_ =	task.clear_ibuf [dreg:s8], $0x6FFFF;
	_ =	strace $0x90000046  }
0xb4: {  	s29 =	simm.s32 $0x9;
	_ =	strace $0x8000004F  }
0xb5: {  	_ =	swait.ge [sflag:s29], $0x1  }
0xb6: {  	[sflag:s29] =	ssyncadd.s32 $0xFFFFFFFF  }
0xb7: {  	_ =	strace $0x9000004F  }
0xb8: {  	_ =	sfence  }
0xb9: {  	s30 =	sld [smem:$0x0];
	_ =	sdelay $0x2  }
0xba: {  	s31 =	sshll.u32 s1, $0xD;
	s1 =	sshrl.u32 s1, $0x2  }
0xbb: {  	s3 =	sand.u32 $0x4000, s31;
	s1 =	sadd.s32 s1, s30  }
0xbc: {  	s0 =	sor.u32 s3, s0;
	s1 =	sshll.u32 s1, $0x11  }
0xbd: {  	s0 =	sor.u32 s1, s0  }
0xbe: {  	s0 =	sadd.s32 $0x8F2B, s0  }
0xbf: {  	[sflag:s0] =	ssyncadd.remote.s32 $0x1  }
0xc0: {  	_ =	sfence.sel $0xFFFF  }
0xc1: {  	[dreg:$0x0] =	wrdreg $0xFFFFFFFF;
	(pc) =	sbr.abs _section_cstart, $3  }
0xc2: {  	[dreg:$0x1] =	wrdreg $0xFFFFFFFF  }
0xc3: {  	_ =	task.clear_ibuf [dreg:s8], $0x2FFFF;
	_ =	strace $0x9FFFFFFF  }
0xc4: {  	(tm) =	ssettm $0x7FFFFFFF  }
0xc5: {  	_ =	shalt  }
tec
execute0_lowered:
.L_overlay_start_1:
0x0: {  	(tag) =	ssettag $0x1  }
0x1: {  	s0 =	srdreg.scid  }
0x2: {  	s6 =	sand.u32 $0x1, s0  }
0x3: {  	s0 =	stileid.u32;
	s1 =	sshll.u32 s6, $0x4  }
0x4: {  	s2 =	rddreg [dreg:$0x0];
	s1 =	sor.u32 s0, s1  }
0x5: {  	s3 =	rddreg [dreg:$0x1];
	s4 =	smul.u32 $0xC, s1  }
0x6: {  	s7 =	rddreg [dreg:$0x2];
	s5 =	simm.s32 $0x0;
	s8 =	smul.u32 $0x1800, s1  }
0x7: {  	s10 =	simm.s32 $0x4;
	s11 =	simm.s32 $0x0;
	s6 =	ssub.s32 $0x2, s6  }
0x8: {  	[smem:$0x7FF] =	sst s5;
	s9 =	sshrl.u32 s6, $0x1;
	s8 =	sor.u32 s4, s8  }
0x9: {  	v2 =	vlaneseq.u32;
	s1 =	rddreg [dreg:$0x3];
	_ =	strace $0x80000047;
	s8 =	sand.u32 $0xF980, s8  }
0xa: {  	vm0 =	vmmov $0xffff;
	v1 =	vshrl.u32 v2, $0x3;
	s9 =	ssub.s32 s6, s9;
	s6 =	sadd.s32 $0x1E00, s7;
	s8 =	sshrl.u32 s8, $0x3  }
0xb: {  	v0 =	vand.u32 $0x7, v2;
	v2 =	vor.u32 $0x8, v2;
	v1 =	vmul.u32 $0x8, v1;
	s7 =	sadd.s32 s3, s8;
	s8 =	smax.u32 s9, $0x1;
	s9 =	simm.s32 $0x5  }
.LBB2_1:
0xc: {  	_ =	strace $0x80000048;
	s12 =	simm.s32 $0xC  }
0xd: {  	s18 =	simm.s32 $0x0;
	s13 =	simm.s32 $0x0;
	s14 =	simm.s32 $0x0  }
0xe: {  	[tilespmem:s5], [sflag:$0x1] =	stream.linear.gather [hbm4b:s7+s5], $0x80, $0x200038;
	[tilespmem:$0x10100] =	vst v63  }
0xf: {  	s15 =	simm.s32 $0x0;
	s16 =	simm.s32 $0x1;
	_ =	strace $0x90000048  }
.LBB2_2:
0x10: {  	s17 =	sadd.s32 $0x1, s18  }
0x11: {  	p0 =	seq.s32 s17, $0xC  }
0x12: {  	s19 =	sadd.s32 s4, s18;
	s17 =	simm.s32 @p0 $0x0  }
0x13: {  	s21 =	sshra.s32 s19, $0x1F;
	s20 =	sadd.s32 s4, s17  }
0x14: {  	s21 =	sshrl.u32 s21, $0x19;
	s22 =	sshra.s32 s20, $0x1F  }
0x15: {  	s21 =	sadd.s32 s21, s19;
	s22 =	sshrl.u32 s22, $0x19  }
0x16: {  	s23 =	sshra.s32 s21, $0x7;
	s21 =	sand.u32 $0xFFFFFF80, s21;
	s22 =	sadd.s32 s22, s20  }
0x17: {  	p5 =	slt.s32 s19, $0x1;
	p1 =	sne.s32 s19, s21;
	s25 =	sand.u32 $0xFFFFFF80, s22  }
0x18: {  	p6 =	slt.s32 s20, $0x1;
	p0 =	por !p5, !p1;
	p2 =	sne.s32 s20, s25  }
0x19: {  	s21 =	simm.s32 $0x1;
	p0 =	por !p0, !p0;
	p1 =	por !p6, !p2  }
0x1a: {  	s24 =	simm.s32 $0x1;
	s21 =	simm.s32 @!p0 $0x0;
	p0 =	por !p1, !p1  }
0x1b: {  	s22 =	sshra.s32 s22, $0x7;
	s20 =	sand.u32 $0x7F, s20;
	s24 =	simm.s32 @!p0 $0x0  }
0x1c: {  	s21 =	ssub.s32 s23, s21;
	s23 =	sand.u32 $0x7F, s19;
	s22 =	ssub.s32 s22, s24  }
0x1d: {  	p3 =	sne.s32 s23, s20;
	p2 =	sne.s32 s21, s22  }
0x1e: {  	p4 =	sne.s32 s12, $0x1;
	p0 =	por p3, p2  }
0x1f: {  	p1 =	por !p4, !p0  }
0x20: {  	p1 =	por !p1, !p1  }
0x21: {  	s24 =	sadd.s32 $0xFFFFFFFF, s18;
	p2 =	seq.s32 s18, $0x0;
	s25 =	sshll.u32 @p1 s22, $0xE  }
0x22: {  	s20 =	sshll.u32 @p1 s20, $0x9;
	s22 =	sshll.u32 @p1 s22, $0x7;
	s25 =	sand.u32 @p1 $0xFFFF0000, s25  }
0x23: {  	s24 =	simm.s32 @p2 $0xB;
	s22 =	sand.u32 @p1 $0x180, s22;
	s20 =	sor.u32 @p1 s20, s25  }
0x24: {  	s24 =	sadd.s32 s4, s24;
	_ =	strace @p1 $0x80000049;
	s20 =	sor.u32 @p1 s22, s20  }
0x25: {  	s26 =	simm.s32 @p1 $0x0;
	s22 =	sand.u32 @p1 $0x1, s16;
	s20 =	sshrl.u32 @p1 s20, $0x3  }
0x26: {  	s25 =	sshll.u32 @p1 s22, $0x7;
	s22 =	sadd.s32 @p1 $0x1, s22;
	s20 =	sadd.s32 @p1 s3, s20  }
0x27: {  	[tilespmem:s25], [sflag:s22] =	stream.linear.gather @p1 [hbm4b:s20+s26], $0x80, $0x200038;
	[tilespmem:$0x10100] =	vst v63  }
0x28: {  	s26 =	sshra.s32 s24, $0x1F  }
0x29: {  	s20 =	sshrl.u32 s26, $0x19  }
0x2a: {  	s20 =	sadd.s32 s20, s24  }
0x2b: {  	s28 =	sand.u32 $0xFFFFFF80, s20  }
0x2c: {  	p3 =	slt.s32 s24, $0x1;
	p4 =	sne.s32 s24, s28  }
0x2d: {  	p2 =	seq.s32 s12, $0xC;
	p3 =	por !p3, !p4  }
0x2e: {  	s22 =	simm.s32 $0x1;
	s24 =	sand.u32 $0x7F, s24;
	p3 =	por !p3, !p3  }
0x2f: {  	s20 =	sshra.s32 s20, $0x7;
	s22 =	simm.s32 @!p3 $0x0;
	p3 =	sne.s32 @!p2 s23, s24  }
0x30: {  	s20 =	ssub.s32 s20, s22;
	p3 =	por p2, p3  }
0x31: {  	p4 =	seq.s32 @!p3 s21, s20  }
0x32: {  	p3 =	por p3, !p4  }
0x33: {  	_ =	strace @p1 $0x90000049;
	s20 =	sand.u32 @p3 $0x1, s15  }
0x34: {  	_ =	strace @p3 $0x8000004A;
	s20 =	sadd.s32 @p3 $0x1, s20  }
0x35: {  	_ =	swait.ge @p3 [sflag:s20], $0x80  }
0x36: {  	[sflag:s20] =	ssyncset.done @p3 $0x0  }
0x37: {  	[sflag:s20] =	ssyncadd.s32 @p3 $0xFFFFFF80  }
0x38: {  	s29 =	sshll.u32 s15, $0x7;
	_ =	strace @p3 $0x9000004A  }
0x39: {  	s23 =	sand.u32 $0x80, s29;
	_ =	strace $0x8000004B  }
0x3a: {  	v3 =	vld [tilespmem:s23+$0x0];
	_ =	sdelay $0x4  }
0x3b: {  	v4 =	vshll.u32 v3, $0x1  }
0x3c: {  	v3 =	vand.u32 $0x7, v3;
	v4 =	vand.u32 $0xFFFFFFF0, v4  }
0x3d: {  	v3 =	vor.u32 v3, v4  }
0x3e: {  	v4 =	vperm.xlane v3, v0;
	_ =	sdelay $0x1  }
0x3f: {  	v3 =	vperm.xlane v3, v2;
	v4 =	vadd.s32 v1, v4;
	_ =	sdelay $0x1  }
0x40: {  	s20 =	sand.u32 $0x1, s14;
	v3 =	vadd.s32 v1, v3  }
0x41: {  	s22 =	sshll.u32 s20, $0xF  }
0x42: {  	s21 =	sor.u32 $0x100, s22  }
0x43: {  	[tilespmem:s21], [sflag:$0x5] =	stream.indirect_vreg.gather [hbm4b:s2+s5], $0x80, v4, vm0, $0x2000b8;
	[tilespmem:$0x10100] =	vst v63  }
0x44: {  	s30 =	sor.u32 $0x900, s22  }
0x45: {  	[tilespmem:s30], [sflag:$0x5] =	stream.indirect_vreg.gather [hbm4b:s2+s5], $0x80, v3, vm0, $0x2000b8;
	[tilespmem:$0x10100] =	vst v63  }
0x46: {  	v3 =	vld [tilespmem:s23+$0x10];
	_ =	sdelay $0x4  }
0x47: {  	v57 =	vshll.u32 v3, $0x1  }
0x48: {  	v3 =	vand.u32 $0x7, v3;
	v4 =	vand.u32 $0xFFFFFFF0, v57  }
0x49: {  	v3 =	vor.u32 v3, v4  }
0x4a: {  	v4 =	vperm.xlane v3, v0;
	_ =	sdelay $0x1  }
0x4b: {  	v3 =	vperm.xlane v3, v2;
	v4 =	vadd.s32 v1, v4;
	_ =	sdelay $0x1  }
0x4c: {  	v3 =	vadd.s32 v1, v3;
	_ =	sdelay $0x1  }
0x4d: {  	s31 =	sor.u32 $0x1100, s22  }
0x4e: {  	[tilespmem:s31], [sflag:$0x5] =	stream.indirect_vreg.gather [hbm4b:s2+s5], $0x80, v4, vm0, $0x2000b8;
	[tilespmem:$0x10100] =	vst v63  }
0x4f: {  	s25 =	sor.u32 $0x1900, s22  }
0x50: {  	[tilespmem:s25], [sflag:$0x5] =	stream.indirect_vreg.gather [hbm4b:s2+s5], $0x80, v3, vm0, $0x2000b8;
	[tilespmem:$0x10100] =	vst v63  }
0x51: {  	v3 =	vld [tilespmem:s23+$0x20];
	_ =	sdelay $0x4  }
0x52: {  	v58 =	vshll.u32 v3, $0x1  }
0x53: {  	v3 =	vand.u32 $0x7, v3;
	v4 =	vand.u32 $0xFFFFFFF0, v58  }
0x54: {  	v3 =	vor.u32 v3, v4  }
0x55: {  	v4 =	vperm.xlane v3, v0;
	_ =	sdelay $0x1  }
0x56: {  	v3 =	vperm.xlane v3, v2;
	v4 =	vadd.s32 v1, v4;
	_ =	sdelay $0x1  }
0x57: {  	v3 =	vadd.s32 v1, v3;
	_ =	sdelay $0x1  }
0x58: {  	s26 =	sor.u32 $0x2100, s22  }
0x59: {  	[tilespmem:s26], [sflag:$0x5] =	stream.indirect_vreg.gather [hbm4b:s2+s5], $0x80, v4, vm0, $0x2000b8;
	[tilespmem:$0x10100] =	vst v63  }
0x5a: {  	s28 =	sor.u32 $0x2900, s22  }
0x5b: {  	[tilespmem:s28], [sflag:$0x5] =	stream.indirect_vreg.gather [hbm4b:s2+s5], $0x80, v3, vm0, $0x2000b8;
	[tilespmem:$0x10100] =	vst v63  }
0x5c: {  	v3 =	vld [tilespmem:s23+$0x30];
	_ =	sdelay $0x4  }
0x5d: {  	v59 =	vshll.u32 v3, $0x1  }
0x5e: {  	v3 =	vand.u32 $0x7, v3;
	v4 =	vand.u32 $0xFFFFFFF0, v59  }
0x5f: {  	v3 =	vor.u32 v3, v4  }
0x60: {  	v4 =	vperm.xlane v3, v0;
	_ =	sdelay $0x1  }
0x61: {  	v3 =	vperm.xlane v3, v2;
	v4 =	vadd.s32 v1, v4;
	_ =	sdelay $0x1  }
0x62: {  	v3 =	vadd.s32 v1, v3;
	_ =	sdelay $0x1  }
0x63: {  	s29 =	sor.u32 $0x3100, s22  }
0x64: {  	[tilespmem:s29], [sflag:$0x5] =	stream.indirect_vreg.gather [hbm4b:s2+s5], $0x80, v4, vm0, $0x2000b8;
	[tilespmem:$0x10100] =	vst v63  }
0x65: {  	s30 =	sor.u32 $0x3900, s22  }
0x66: {  	[tilespmem:s30], [sflag:$0x5] =	stream.indirect_vreg.gather [hbm4b:s2+s5], $0x80, v3, vm0, $0x2000b8;
	[tilespmem:$0x10100] =	vst v63  }
0x67: {  	v3 =	vld [tilespmem:s23+$0x40];
	_ =	sdelay $0x4  }
0x68: {  	v60 =	vshll.u32 v3, $0x1  }
0x69: {  	v3 =	vand.u32 $0x7, v3;
	v4 =	vand.u32 $0xFFFFFFF0, v60  }
0x6a: {  	v3 =	vor.u32 v3, v4  }
0x6b: {  	v4 =	vperm.xlane v3, v0;
	_ =	sdelay $0x1  }
0x6c: {  	v3 =	vperm.xlane v3, v2;
	v4 =	vadd.s32 v1, v4;
	_ =	sdelay $0x1  }
0x6d: {  	v3 =	vadd.s32 v1, v3;
	_ =	sdelay $0x1  }
0x6e: {  	s31 =	sor.u32 $0x4100, s22  }
0x6f: {  	[tilespmem:s31], [sflag:$0x5] =	stream.indirect_vreg.gather [hbm4b:s2+s5], $0x80, v4, vm0, $0x2000b8;
	[tilespmem:$0x10100] =	vst v63  }
0x70: {  	s25 =	sor.u32 $0x4900, s22  }
0x71: {  	[tilespmem:s25], [sflag:$0x5] =	stream.indirect_vreg.gather [hbm4b:s2+s5], $0x80, v3, vm0, $0x2000b8;
	[tilespmem:$0x10100] =	vst v63  }
0x72: {  	v3 =	vld [tilespmem:s23+$0x50];
	_ =	sdelay $0x4  }
0x73: {  	v61 =	vshll.u32 v3, $0x1  }
0x74: {  	v3 =	vand.u32 $0x7, v3;
	v4 =	vand.u32 $0xFFFFFFF0, v61  }
0x75: {  	v3 =	vor.u32 v3, v4  }
0x76: {  	v4 =	vperm.xlane v3, v0;
	_ =	sdelay $0x1  }
0x77: {  	v3 =	vperm.xlane v3, v2;
	v4 =	vadd.s32 v1, v4;
	_ =	sdelay $0x1  }
0x78: {  	v3 =	vadd.s32 v1, v3;
	_ =	sdelay $0x1  }
0x79: {  	s26 =	sor.u32 $0x5100, s22  }
0x7a: {  	[tilespmem:s26], [sflag:$0x5] =	stream.indirect_vreg.gather [hbm4b:s2+s5], $0x80, v4, vm0, $0x2000b8;
	[tilespmem:$0x10100] =	vst v63  }
0x7b: {  	s28 =	sor.u32 $0x5900, s22  }
0x7c: {  	[tilespmem:s28], [sflag:$0x5] =	stream.indirect_vreg.gather [hbm4b:s2+s5], $0x80, v3, vm0, $0x2000b8;
	[tilespmem:$0x10100] =	vst v63  }
0x7d: {  	v3 =	vld [tilespmem:s23+$0x60];
	_ =	sdelay $0x4  }
0x7e: {  	v62 =	vshll.u32 v3, $0x1  }
0x7f: {  	v3 =	vand.u32 $0x7, v3;
	v4 =	vand.u32 $0xFFFFFFF0, v62  }
0x80: {  	v3 =	vor.u32 v3, v4  }
0x81: {  	v4 =	vperm.xlane v3, v0;
	_ =	sdelay $0x1  }
0x82: {  	v3 =	vperm.xlane v3, v2;
	v4 =	vadd.s32 v1, v4;
	_ =	sdelay $0x1  }
0x83: {  	v3 =	vadd.s32 v1, v3;
	_ =	sdelay $0x1  }
0x84: {  	s29 =	sor.u32 $0x6100, s22  }
0x85: {  	[tilespmem:s29], [sflag:$0x5] =	stream.indirect_vreg.gather [hbm4b:s2+s5], $0x80, v4, vm0, $0x2000b8;
	[tilespmem:$0x10100] =	vst v63  }
0x86: {  	s30 =	sor.u32 $0x6900, s22  }
0x87: {  	[tilespmem:s30], [sflag:$0x5] =	stream.indirect_vreg.gather [hbm4b:s2+s5], $0x80, v3, vm0, $0x2000b8;
	[tilespmem:$0x10100] =	vst v63  }
0x88: {  	v3 =	vld [tilespmem:s23+$0x70];
	_ =	sdelay $0x4  }
0x89: {  	v63 =	vshll.u32 v3, $0x1  }
0x8a: {  	v3 =	vand.u32 $0x7, v3;
	v4 =	vand.u32 $0xFFFFFFF0, v63  }
0x8b: {  	v3 =	vor.u32 v3, v4  }
0x8c: {  	v4 =	vperm.xlane v3, v0;
	_ =	sdelay $0x1  }
0x8d: {  	v3 =	vperm.xlane v3, v2;
	v4 =	vadd.s32 v1, v4;
	_ =	sdelay $0x1  }
0x8e: {  	v3 =	vadd.s32 v1, v3;
	_ =	sdelay $0x1  }
0x8f: {  	s31 =	sor.u32 $0x7100, s22  }
0x90: {  	[tilespmem:s31], [sflag:$0x5] =	stream.indirect_vreg.gather [hbm4b:s2+s5], $0x80, v4, vm0, $0x2000b8;
	[tilespmem:$0x10100] =	vst v63  }
0x91: {  	p5 =	seq.s32 s12, $0x1;
	p6 =	sne.s32 s18, s17;
	s22 =	sor.u32 $0x7900, s22  }
0x92: {  	[tilespmem:s22], [sflag:$0x5] =	stream.indirect_vreg.gather [hbm4b:s2+s5], $0x80, v3, vm0, $0x2000b8;
	[tilespmem:$0x10100] =	vst v63  }
0x93: {  	p4 =	por p5, p6;
	_ =	swait.ge [sflag:s9], $0x8000  }
0x94: {  	s18 =	sshll.u32 @p4 s19, $0xC;
	[sflag:s9] =	ssyncset.done $0x0  }
0x95: {  	s18 =	sand.u32 @p4 $0x1FFFF000, s18;
	[sflag:s9] =	ssyncadd.s32 $0xFFFF8000  }
0x96: {  	s18 =	sadd.s32 @p4 s6, s18;
	_ =	strace $0x9000004B  }
0x97: {  	s19 =	sadd.s32 @p4 $0x3, s20;
	s20 =	simm.s32 @p4 $0x0;
	_ =	strace @p4 $0x8000004C  }
0x98: {  	[hbm4b:s18+s20] =	stream.linear.scatter @p4 [tilespmem:s21], [sflag:s19], $0x8000, $0x200038;
	[tilespmem:$0x10100] =	vst v63  }
0x99: {  	s19 =	sand.u32 @!p2 $0x1, s13;
	_ =	strace @p4 $0x9000004C  }
0x9a: {  	s19 =	sadd.s32 @!p2 $0x3, s19;
	_ =	strace @!p2 $0x8000004D  }
0x9b: {  	p0 =	por p5, p0;
	s18 =	simm.s32 $0x1;
	_ =	swait.ge @!p2 [sflag:s19], $0x8000  }
0x9c: {  	s18 =	simm.s32 @!p1 $0x0;
	p1 =	sne.s32 s12, $0xC;
	[sflag:s19] =	ssyncset.done @!p2 $0x0  }
0x9d: {  	s12 =	sadd.s32 $0xFFFFFFFF, s12;
	[sflag:s19] =	ssyncadd.s32 @!p2 $0xFFFF8000;
	s19 =	simm.s32 $0x1  }
0x9e: {  	s19 =	simm.s32 @!p0 $0x0;
	p0 =	sne.s32 s12, $0x0  }
.Ltmp0:
0x9f: {  	_ = 	snop;
	(pc) =	sbr.rel @p0 .LBB2_2-.Ltmp0, $4  }
0xa0: {  	s20 =	simm.s32 $0x1;
	s16 =	sadd.s32 s18, s16;
	s18 =	simm.s32 $0x1  }
0xa1: {  	s20 =	simm.s32 @!p4 $0x0;
	s18 =	simm.s32 @!p1 $0x0  }
0xa2: {  	s14 =	sadd.s32 s20, s14;
	s13 =	sadd.s32 s18, s13  }
0xa3: {  	s18 =	smov.u32 s17;
	_ =	strace @!p2 $0x9000004D;
	s15 =	sadd.s32 s19, s15  }
0xa4: {  	s11 =	sadd.s32 $0x1, s11  }
0xa5: {  	p0 =	sne.s32 s11, s8  }
.Ltmp1:
0xa6: {  	_ =	strace $0x8000004E;
	(pc) =	sbr.rel @p0 .LBB2_1-.Ltmp1, $4  }
0xa7: {  	_ =	swait.ge [sflag:s10], $0x8000  }
0xa8: {  	[sflag:s10] =	ssyncset.done $0x0  }
0xa9: {  	[sflag:s10] =	ssyncadd.s32 $0xFFFF8000  }
0xaa: {  	_ =	strace $0x9000004E  }
0xab: {  	_ =	sfence.sel $0x180000  }
0xac: {  	[bflag:$0x0] =	sbarrier.arrive $0xFFFF  }
0xad: {  	p0 =	sne.s32 s0, $0x0;
	_ =	strace $0x90000047  }
0xae: {  	s0 =	sadd.s32 @!p0 $0x100000, s1;
	[bflag:$0x2] =	sbarrier.arrive $0xFFFF  }
0xaf: {  	[sflag:s0] =	ssyncadd.tile.s32 @!p0 $0x1;
	_ =	shalt  }
.Lfunc_end2:
_tile_overlayer_lowered:
.L_overlay_start_2:
0xb0: {  	(tag) =	ssettag $0x2  }
0xb1: {  	s0 =	rddreg [dreg:$0x0];
	s2 =	stileid.u32  }
0xb2: {  	s1 =	rddreg [dreg:$0x1];
	p0 =	sne.s32 s2, $0x0  }
0xb3: {  	s3 =	rddreg [dreg:$0x2];
	[bflag:$0x3] =	sbarrier.arrive $0xFFFF;
	s2 =	simm.s32 @!p0 $0x1C01  }
0xb4: {  	[timem:s3], [sflag:s2] =	dma.local @!p0 [hbm:s0], s1  }
0xb5: {  	s0 =	simm.s32 @!p0 $0x1  }
0xb6: {  	_ =	swait.ge @!p0 [sflag:s0], s1  }
0xb7: {  	s1 =	ssub.s32 @!p0 $0x0, s1;
	[sflag:s0] =	ssyncset.done @!p0 $0x0  }
0xb8: {  	[sflag:s0] =	ssyncadd.s32 @!p0 s1  }
0xb9: {  	[bflag:$0x3] =	sbarrier.arrive $0xFFFF  }
0xba: {  	_ =	shalt  }

</sc_bundles>
